<compile_context>
chip_gen: v7x
topology: tpu7x:2x2x1
jax: 0.10.2.dev20260603
libtpu: 0.0.44.dev20260713+nightly
codegen_flags: <defaults>
</compile_context>

<pallas_src>
import functools

import jax
import jax.numpy as jnp
from jax import lax
from jax.experimental import pallas as pl
from jax.experimental.pallas import tpu as pltpu
from jax.experimental.pallas import tpu_sc as plsc

N = 90
NB = 96
E = 2700
EP = 2816
HID = 256
LANES = 16
NCHUNK = EP // LANES



SU = 4


NPART = 4
CPART = NCHUNK // NPART


def _sc_count_body(adj_sc, adj_fc, out_sc, out_fc, edges_v, b_v):
    sid = lax.axis_index("s")
    part = sid % NPART

    def build(adj_hbm, out_hbm):
        pltpu.sync_copy(adj_hbm, edges_v)
        zeros = jnp.zeros((LANES,), jnp.float32)

        def zero_row(r, _):
            for j in range(NB // LANES):
                b_v[r, pl.ds(j * LANES, LANES)] = zeros
            return 0

        lax.fori_loop(0, NB, zero_row, 0)

        def scat(i, _):
            for j in range(SU):
                base = (part * CPART + i * SU + j) * LANES
                src = edges_v[0, pl.ds(base, LANES)]
                dst = edges_v[1, pl.ds(base, LANES)]
                cnt, last = plsc.scan_count(dst * NB + src)
                plsc.addupdate_scatter(b_v, [dst, src],
                                       cnt.astype(jnp.float32), mask=last)
            return 0

        lax.fori_loop(0, CPART // SU, scat, 0)
        pltpu.sync_copy(b_v, out_hbm.at[part])

    @pl.when(sid < NPART)
    def _():
        build(adj_sc, out_sc)

    @pl.when(jnp.logical_and(sid >= NPART, sid < 2 * NPART))
    def _():
        build(adj_fc, out_fc)


_sc_count = functools.partial(
    pl.kernel,
    out_type=(
        jax.ShapeDtypeStruct((NPART, NB, NB), jnp.float32),
        jax.ShapeDtypeStruct((NPART, NB, NB), jnp.float32),
    ),
    mesh=plsc.VectorSubcoreMesh(core_axis_name="c", subcore_axis_name="s",
                                num_cores=1),
    compiler_params=pltpu.CompilerParams(needs_layout_passes=False),
    scratch_types=[
        pltpu.VMEM((2, EP), jnp.int32),
        pltpu.VMEM((NB, NB), jnp.float32),
    ],
)(_sc_count_body)



def _gcn_layer(B, xw, b):
    deg = jnp.sum(B, axis=1, keepdims=True)
    dis = jnp.where(deg > 0, lax.rsqrt(jnp.maximum(deg, 1e-12)), 0.0)
    msg = dis * lax.dot(B, dis * xw)
    return jax.nn.relu(msg + b)


def _cai(h_sc, h_fc, Wb):
    P = lax.dot(h_sc, Wb)
    C = jnp.tanh(lax.dot_general(
        P, h_fc, (((1,), (1,)), ((), ()))))
    C_T = jnp.tanh(lax.dot_general(
        h_fc, P, (((1,), (1,)), ((), ()))))
    e1 = jnp.exp(C)
    e2 = jnp.exp(C_T)
    A_sc = e1 / jnp.sum(e1, axis=1, keepdims=True)
    A_fc = e2 / jnp.sum(e2, axis=1, keepdims=True)
    cosc = lax.dot(A_sc, h_fc)
    cofs = lax.dot(A_fc, h_sc)
    return cosc, cofs


def _xw_body(x_sc, x_fc, W0, oxw_sc, oxw_fc):
    W0v = W0[...]
    oxw_sc[...] = lax.dot(x_sc[...], W0v)
    oxw_fc[...] = lax.dot(x_fc[...], W0v)


def _fused_body(B_sc_ref, B_fc_ref, xw_sc, xw_fc, b0, W1, b1, Wb,
                o1, o2, o3, o4):
    B_sc = jnp.sum(B_sc_ref[...], axis=0)[:N, :N]
    B_fc = jnp.sum(B_fc_ref[...], axis=0)[:N, :N]
    b0v = jnp.reshape(b0[...], (1, HID))
    W1v, b1v = W1[...], jnp.reshape(b1[...], (1, HID))
    Wbv = Wb[...]
    h_sc = _gcn_layer(B_sc, xw_sc[...], b0v)
    h_fc = _gcn_layer(B_fc, xw_fc[...], b0v)
    cosc, cofs = _cai(h_sc, h_fc, Wbv)
    x_sc1 = jnp.concatenate([h_sc, cosc], axis=1)
    x_fc1 = jnp.concatenate([h_fc, cofs], axis=1)
    h_sc2 = _gcn_layer(B_sc, lax.dot(x_sc1, W1v), b1v)
    h_fc2 = _gcn_layer(B_fc, lax.dot(x_fc1, W1v), b1v)
    cosc2, cofs2 = _cai(h_sc2, h_fc2, Wbv)
    o1[...] = x_sc1
    o3[...] = x_fc1
    o2[...] = jnp.concatenate([h_sc2, cosc2], axis=1)
    o4[...] = jnp.concatenate([h_fc2, cofs2], axis=1)


@jax.jit
def kernel(x_sc, x_fc, adj_sc, adj_fc, W0, b0, W1, b1, Wb):
    adj_sc_p = jnp.pad(adj_sc, ((0, 0), (0, EP - E)), constant_values=95)
    adj_fc_p = jnp.pad(adj_fc, ((0, 0), (0, EP - E)), constant_values=95)
    B_sc, B_fc = _sc_count(adj_sc_p, adj_fc_p)
    xw_sd = jax.ShapeDtypeStruct((N, HID), jnp.float32)
    xw_sc, xw_fc = pl.pallas_call(
        _xw_body, out_shape=(xw_sd, xw_sd),
    )(x_sc, x_fc, W0)
    out_sd = jax.ShapeDtypeStruct((N, 2 * HID), jnp.float32)
    r1, r2, r3, r4 = pl.pallas_call(
        _fused_body,
        out_shape=(out_sd, out_sd, out_sd, out_sd),
    )(B_sc, B_fc, xw_sc, xw_fc, b0, W1, b1, Wb)
    return r1, r2, r3, r4

# --- scband reference (transcript-rebuilt; emitter-appended) ---
"""Pipeline reference for scband-gcn-mgaev3-35141422416147 (READ-ONLY COPY).

The authoritative reference and input builder live on the scoring server;
editing this copy changes nothing except your own understanding.
"""

import jax, jax.numpy as jnp
import numpy as np

N = 90
IN_C, HID, OUT_C = 90, 256, 256
E = 2700


def gcn_conv(x, edge_index, W, b):
    # GCNConv with add_self_loops=False, symmetric normalization
    src = edge_index[0]
    dst = edge_index[1]
    h = x @ W
    ones = jnp.ones((edge_index.shape[1],), dtype=x.dtype)
    deg = jax.ops.segment_sum(ones, dst, num_segments=N)
    dis = jnp.where(deg > 0, jax.lax.rsqrt(jnp.maximum(deg, 1e-12)), 0.0)
    norm = dis[src] * dis[dst]
    msg = h[src] * norm[:, None]
    out = jax.ops.segment_sum(msg, dst, num_segments=N)
    return out + b


def cai(x_sc, x_fc, Wb):
    # co-attention interaction: bilinear affinity + cross attention
    C = jnp.tanh(x_sc @ Wb @ x_fc.T)  # [N, N]
    A_sc = jax.nn.softmax(C, axis=1)
    A_fc = jax.nn.softmax(C.T, axis=1)
    cosc = A_sc @ x_fc
    cofs = A_fc @ x_sc
    return cosc, cofs


def setup_inputs(seed: int = 0) -> dict:
    key = jax.random.key(seed)
    ks = jax.random.split(key, 10)
    inp = {}
    inp['x_sc'] = jax.random.normal(ks[0], (N, IN_C), dtype=jnp.float32)
    inp['x_fc'] = jax.random.normal(ks[1], (N, IN_C), dtype=jnp.float32)
    inp['adj_sc'] = jax.random.randint(ks[2], (2, E), 0, N, dtype=jnp.int32)
    inp['adj_fc'] = jax.random.randint(ks[3], (2, E), 0, N, dtype=jnp.int32)
    inp['W0'] = jax.random.normal(ks[4], (IN_C, HID), dtype=jnp.float32) * 0.05
    inp['b0'] = jnp.zeros((HID,), dtype=jnp.float32)
    inp['W1'] = jax.random.normal(ks[5], (2 * HID, OUT_C), dtype=jnp.float32) * 0.05
    inp['b1'] = jnp.zeros((OUT_C,), dtype=jnp.float32)
    inp['Wb'] = jax.random.normal(ks[6], (OUT_C, OUT_C), dtype=jnp.float32) * 0.05
    return inp


def reference(x_sc, x_fc, adj_sc, adj_fc, W0, b0, W1, b1, Wb):
    # Layer 1 (convs[:-1]): in_channels -> hidden, relu, dropout (eval: identity)
    h_sc = jax.nn.relu(gcn_conv(x_sc, adj_sc, W0, b0))
    h_fc = jax.nn.relu(gcn_conv(x_fc, adj_fc, W0, b0))
    cosc, cofs = cai(h_sc, h_fc, Wb)
    x_sc1 = jnp.concatenate([h_sc, cosc], axis=1)  # [N, 2*HID]
    x_fc1 = jnp.concatenate([h_fc, cofs], axis=1)
    # Last layer (convs[-1]): 2*hidden -> out, relu
    h_sc2 = jax.nn.relu(gcn_conv(x_sc1, adj_sc, W1, b1))
    h_fc2 = jax.nn.relu(gcn_conv(x_fc1, adj_fc, W1, b1))
    cosc2, cofs2 = cai(h_sc2, h_fc2, Wb)
    x_sc2 = jnp.concatenate([h_sc2, cosc2], axis=1)  # [N, 2*OUT_C]
    x_fc2 = jnp.concatenate([h_fc2, cofs2], axis=1)
    # original returns (xx_sc, xx_fc) lists; flatten to a tuple
    return (x_sc1, x_sc2, x_fc1, x_fc2)

if __name__ == "__main__":
    import jax
    _d = setup_inputs()
    print(jax.jit(kernel)(*tuple(_d.values())))

</pallas_src>

<mosaic_0001>
#map = affine_map<(d0, d1) -> (0, 0)>
#map1 = affine_map<(d0, d1) -> (0, 0, 0)>
module attributes {stable_mosaic.version = 14 : i64} {
  func.func @_sc_count_body(%arg0: i32, %arg1: i32, %arg2: memref<2x2816xi32, #tpu.memory_space<hbm>>, %arg3: memref<2x2816xi32, #tpu.memory_space<hbm>>, %arg4: memref<4x96x96xf32, #tpu.memory_space<hbm>>, %arg5: memref<4x96x96xf32, #tpu.memory_space<hbm>>, %arg6: memref<2x2816xi32, #tpu.memory_space<vmem>>, %arg7: memref<96x96xf32, #tpu.memory_space<vmem>>) attributes {dimension_semantics = [#tpu.dimension_semantics<core_parallel>, #tpu.dimension_semantics<subcore_parallel>], iteration_bounds = array<i64: 1, 16>, scalar_prefetch = 0 : i64, scratch_operands = 2 : i64, tpu.core_type = #tpu.core_type<sc_vector_subcore>, window_params = [{transform_indices = #map}, {transform_indices = #map}, {transform_indices = #map1}, {transform_indices = #map1}]} {
    %jit3A = arith.constant 4 : i32
    %eq3A = arith.constant 0 : i32
    %eq3A_0 = arith.cmpi eq, %jit3A, %eq3A : i32
    %jit3A_1 = arith.constant 1 : i32
    %select_n3A = arith.select %eq3A_0, %jit3A_1, %jit3A : i32
    %rem3A = arith.remsi %arg1, %select_n3A : i32
    %ne3A = arith.constant 0 : i32
    %ne3A_2 = arith.cmpi ne, %rem3A, %ne3A : i32
    %lt3A = arith.constant 0 : i32
    %lt3A_3 = arith.cmpi slt, %rem3A, %lt3A : i32
    %lt3A_4 = arith.constant 0 : i32
    %lt3A_5 = arith.cmpi slt, %select_n3A, %lt3A_4 : i32
    %ne3A_6 = arith.xori %lt3A_3, %lt3A_5 : i1
    %and3A = arith.andi %ne3A_6, %ne3A_2 : i1
    %add3A = arith.addi %rem3A, %select_n3A : i32
    %select_n3A_7 = arith.select %and3A, %add3A, %rem3A : i32
    %lt3A_8 = arith.constant 4 : i32
    %lt3A_9 = arith.cmpi slt, %arg1, %lt3A_8 : i32
    %convert_element_type3A = arith.extui %lt3A_9 : i1 to i32
    %cond3A = arith.constant 0 : i32
    %cond3A_10 = arith.cmpi ne, %convert_element_type3A, %cond3A : i32
    scf.if %cond3A_10 {
      "tpu.region"() ({
        %run_scoped3A = tpu.sem_alloc : memref<!tpu.dma_semaphore, #tpu.memory_space<semaphore_mem>>
        tpu.enqueue_dma source(%arg2 : memref<2x2816xi32, #tpu.memory_space<hbm>>) target(%arg6 : memref<2x2816xi32, #tpu.memory_space<vmem>>) target_semaphore(%run_scoped3A : memref<!tpu.dma_semaphore, #tpu.memory_space<semaphore_mem>>)
        tpu.wait_dma2 semaphore(%run_scoped3A : memref<!tpu.dma_semaphore, #tpu.memory_space<semaphore_mem>>) src(%arg2 : memref<2x2816xi32, #tpu.memory_space<hbm>>) dst(%arg6 : memref<2x2816xi32, #tpu.memory_space<vmem>>)
        tpu.yield
      }) : () -> ()
      %broadcast_in_dim3A = arith.constant 0.000000e+00 : f32
      %broadcast_in_dim3A_18 = vector.broadcast %broadcast_in_dim3A : f32 to vector<16xf32>
      %scan3A = arith.constant 0 : i32
      %scan3A_19 = arith.constant 0 : i32
      %scan3A_20 = arith.constant 96 : i32
      %scan3A_21 = arith.addi %scan3A_19, %scan3A_20 : i32
      %scan3A_22 = arith.constant 1 : i32
      %scan3A_23 = scf.for %scan3A_32 = %scan3A_19 to %scan3A_21 step %scan3A_22 iter_args(%scan3A_33 = %scan3A) -> (i32)  : i32 {
        %swap3A = arith.index_cast %scan3A_32 : i32 to index
        %swap3A_34 = arith.constant 0 : index
        %swap3A_35 = tpu.vector_load %arg7[%swap3A, %swap3A_34] {strides = array<i32>} : memref<96x96xf32, #tpu.memory_space<vmem>>, vector<16xf32>,
        tpu.vector_store %arg7[%swap3A, %swap3A_34], %broadcast_in_dim3A_18 {strides = array<i32>} : memref<96x96xf32, #tpu.memory_space<vmem>>, vector<16xf32>,
        %swap3A_36 = arith.index_cast %scan3A_32 : i32 to index
        %swap3A_37 = arith.constant 16 : index
        %swap3A_38 = tpu.vector_load %arg7[%swap3A_36, %swap3A_37] {strides = array<i32>} : memref<96x96xf32, #tpu.memory_space<vmem>>, vector<16xf32>,
        tpu.vector_store %arg7[%swap3A_36, %swap3A_37], %broadcast_in_dim3A_18 {strides = array<i32>} : memref<96x96xf32, #tpu.memory_space<vmem>>, vector<16xf32>,
        %swap3A_39 = arith.index_cast %scan3A_32 : i32 to index
        %swap3A_40 = arith.constant 32 : index
        %swap3A_41 = tpu.vector_load %arg7[%swap3A_39, %swap3A_40] {strides = array<i32>} : memref<96x96xf32, #tpu.memory_space<vmem>>, vector<16xf32>,
        tpu.vector_store %arg7[%swap3A_39, %swap3A_40], %broadcast_in_dim3A_18 {strides = array<i32>} : memref<96x96xf32, #tpu.memory_space<vmem>>, vector<16xf32>,
        %swap3A_42 = arith.index_cast %scan3A_32 : i32 to index
        %swap3A_43 = arith.constant 48 : index
        %swap3A_44 = tpu.vector_load %arg7[%swap3A_42, %swap3A_43] {strides = array<i32>} : memref<96x96xf32, #tpu.memory_space<vmem>>, vector<16xf32>,
        tpu.vector_store %arg7[%swap3A_42, %swap3A_43], %broadcast_in_dim3A_18 {strides = array<i32>} : memref<96x96xf32, #tpu.memory_space<vmem>>, vector<16xf32>,
        %swap3A_45 = arith.index_cast %scan3A_32 : i32 to index
        %swap3A_46 = arith.constant 64 : index
        %swap3A_47 = tpu.vector_load %arg7[%swap3A_45, %swap3A_46] {strides = array<i32>} : memref<96x96xf32, #tpu.memory_space<vmem>>, vector<16xf32>,
        tpu.vector_store %arg7[%swap3A_45, %swap3A_46], %broadcast_in_dim3A_18 {strides = array<i32>} : memref<96x96xf32, #tpu.memory_space<vmem>>, vector<16xf32>,
        %swap3A_48 = arith.index_cast %scan3A_32 : i32 to index
        %swap3A_49 = arith.constant 80 : index
        %swap3A_50 = tpu.vector_load %arg7[%swap3A_48, %swap3A_49] {strides = array<i32>} : memref<96x96xf32, #tpu.memory_space<vmem>>, vector<16xf32>,
        tpu.vector_store %arg7[%swap3A_48, %swap3A_49], %broadcast_in_dim3A_18 {strides = array<i32>} : memref<96x96xf32, #tpu.memory_space<vmem>>, vector<16xf32>,
        %scan3A_51 = arith.constant 0 : i32
        scf.yield %scan3A_51 : i32
      }
      %scan3A_24 = arith.constant 96 : i32
      %scan3A_25 = arith.constant 0 : i32
      %scan3A_26 = arith.constant 0 : i32
      %scan3A_27 = arith.constant 11 : i32
      %scan3A_28 = arith.addi %scan3A_26, %scan3A_27 : i32
      %scan3A_29 = arith.constant 1 : i32
      %scan3A_30 = scf.for %scan3A_32 = %scan3A_26 to %scan3A_28 step %scan3A_29 iter_args(%scan3A_33 = %scan3A_25) -> (i32)  : i32 {
        %mul3A = arith.constant 44 : i32
        %mul3A_34 = arith.muli %select_n3A_7, %mul3A : i32
        %mul3A_35 = arith.constant 4 : i32
        %mul3A_36 = arith.muli %scan3A_32, %mul3A_35 : i32
        %add3A_37 = arith.addi %mul3A_34, %mul3A_36 : i32
        %add3A_38 = arith.constant 0 : i32
        %add3A_39 = arith.addi %add3A_37, %add3A_38 : i32
        %mul3A_40 = arith.constant 16 : i32
        %mul3A_41 = arith.muli %add3A_39, %mul3A_40 : i32
        %get3A = arith.constant 0 : i32
        %get3A_42 = arith.index_cast %get3A : i32 to index
        %get3A_43 = arith.index_cast %mul3A_41 : i32 to index
        %get3A_44 = tpu.vector_load %arg6[%get3A_42, %get3A_43] {strides = array<i32>} : memref<2x2816xi32, #tpu.memory_space<vmem>>, vector<16xi32>,
        %get3A_45 = arith.constant 1 : i32
        %get3A_46 = arith.index_cast %get3A_45 : i32 to index
        %get3A_47 = arith.index_cast %mul3A_41 : i32 to index
        %get3A_48 = tpu.vector_load %arg6[%get3A_46, %get3A_47] {strides = array<i32>} : memref<2x2816xi32, #tpu.memory_space<vmem>>, vector<16xi32>,
        %mul3A_49 = arith.constant 96 : i32
        %mul3A_50 = vector.broadcast %mul3A_49 : i32 to vector<16xi32>
        %mul3A_51 = arith.muli %get3A_48, %mul3A_50 : vector<16xi32>
        %add3A_52 = arith.addi %mul3A_51, %get3A_44 : vector<16xi32>
        %broadcast_in_dim3A_53 = arith.constant true
        %broadcast_in_dim3A_54 = vector.broadcast %broadcast_in_dim3A_53 : i1 to vector<16xi1>
        %unique3A, %unique3A_55 = tpu.scan_count mask(%broadcast_in_dim3A_54 : vector<16xi1>) value(%add3A_52 : vector<16xi32>) : vector<16xi1>, vector<16xi32>
        %convert_element_type3A_56 = arith.sitofp %unique3A_55 : vector<16xi32> to vector<16xf32>
        tpu.vector_store_idx %arg7[%get3A_48, %get3A_44], %convert_element_type3A_56 masked %unique3A {add = true} : memref<96x96xf32, #tpu.memory_space<vmem>>[vector<16xi32>, vector<16xi32>], vector<16xf32>, vector<16xi1>
        %mul3A_57 = arith.constant 44 : i32
        %mul3A_58 = arith.muli %select_n3A_7, %mul3A_57 : i32
        %mul3A_59 = arith.constant 4 : i32
        %mul3A_60 = arith.muli %scan3A_32, %mul3A_59 : i32
        %add3A_61 = arith.addi %mul3A_58, %mul3A_60 : i32
        %add3A_62 = arith.constant 1 : i32
        %add3A_63 = arith.addi %add3A_61, %add3A_62 : i32
        %mul3A_64 = arith.constant 16 : i32
        %mul3A_65 = arith.muli %add3A_63, %mul3A_64 : i32
        %get3A_66 = arith.constant 0 : i32
        %get3A_67 = arith.index_cast %get3A_66 : i32 to index
        %get3A_68 = arith.index_cast %mul3A_65 : i32 to index
        %get3A_69 = tpu.vector_load %arg6[%get3A_67, %get3A_68] {strides = array<i32>} : memref<2x2816xi32, #tpu.memory_space<vmem>>, vector<16xi32>,
        %get3A_70 = arith.constant 1 : i32
        %get3A_71 = arith.index_cast %get3A_70 : i32 to index
        %get3A_72 = arith.index_cast %mul3A_65 : i32 to index
        %get3A_73 = tpu.vector_load %arg6[%get3A_71, %get3A_72] {strides = array<i32>} : memref<2x2816xi32, #tpu.memory_space<vmem>>, vector<16xi32>,
        %mul3A_74 = arith.constant 96 : i32
        %mul3A_75 = vector.broadcast %mul3A_74 : i32 to vector<16xi32>
        %mul3A_76 = arith.muli %get3A_73, %mul3A_75 : vector<16xi32>
        %add3A_77 = arith.addi %mul3A_76, %get3A_69 : vector<16xi32>
        %broadcast_in_dim3A_78 = arith.constant true
        %broadcast_in_dim3A_79 = vector.broadcast %broadcast_in_dim3A_78 : i1 to vector<16xi1>
        %unique3A_80, %unique3A_81 = tpu.scan_count mask(%broadcast_in_dim3A_79 : vector<16xi1>) value(%add3A_77 : vector<16xi32>) : vector<16xi1>, vector<16xi32>
        %convert_element_type3A_82 = arith.sitofp %unique3A_81 : vector<16xi32> to vector<16xf32>
        tpu.vector_store_idx %arg7[%get3A_73, %get3A_69], %convert_element_type3A_82 masked %unique3A_80 {add = true} : memref<96x96xf32, #tpu.memory_space<vmem>>[vector<16xi32>, vector<16xi32>], vector<16xf32>, vector<16xi1>
        %mul3A_83 = arith.constant 44 : i32
        %mul3A_84 = arith.muli %select_n3A_7, %mul3A_83 : i32
        %mul3A_85 = arith.constant 4 : i32
        %mul3A_86 = arith.muli %scan3A_32, %mul3A_85 : i32
        %add3A_87 = arith.addi %mul3A_84, %mul3A_86 : i32
        %add3A_88 = arith.constant 2 : i32
        %add3A_89 = arith.addi %add3A_87, %add3A_88 : i32
        %mul3A_90 = arith.constant 16 : i32
        %mul3A_91 = arith.muli %add3A_89, %mul3A_90 : i32
        %get3A_92 = arith.constant 0 : i32
        %get3A_93 = arith.index_cast %get3A_92 : i32 to index
        %get3A_94 = arith.index_cast %mul3A_91 : i32 to index
        %get3A_95 = tpu.vector_load %arg6[%get3A_93, %get3A_94] {strides = array<i32>} : memref<2x2816xi32, #tpu.memory_space<vmem>>, vector<16xi32>,
        %get3A_96 = arith.constant 1 : i32
        %get3A_97 = arith.index_cast %get3A_96 : i32 to index
        %get3A_98 = arith.index_cast %mul3A_91 : i32 to index
        %get3A_99 = tpu.vector_load %arg6[%get3A_97, %get3A_98] {strides = array<i32>} : memref<2x2816xi32, #tpu.memory_space<vmem>>, vector<16xi32>,
        %mul3A_100 = arith.constant 96 : i32
        %mul3A_101 = vector.broadcast %mul3A_100 : i32 to vector<16xi32>
        %mul3A_102 = arith.muli %get3A_99, %mul3A_101 : vector<16xi32>
        %add3A_103 = arith.addi %mul3A_102, %get3A_95 : vector<16xi32>
        %broadcast_in_dim3A_104 = arith.constant true
        %broadcast_in_dim3A_105 = vector.broadcast %broadcast_in_dim3A_104 : i1 to vector<16xi1>
        %unique3A_106, %unique3A_107 = tpu.scan_count mask(%broadcast_in_dim3A_105 : vector<16xi1>) value(%add3A_103 : vector<16xi32>) : vector<16xi1>, vector<16xi32>
        %convert_element_type3A_108 = arith.sitofp %unique3A_107 : vector<16xi32> to vector<16xf32>
        tpu.vector_store_idx %arg7[%get3A_99, %get3A_95], %convert_element_type3A_108 masked %unique3A_106 {add = true} : memref<96x96xf32, #tpu.memory_space<vmem>>[vector<16xi32>, vector<16xi32>], vector<16xf32>, vector<16xi1>
        %mul3A_109 = arith.constant 44 : i32
        %mul3A_110 = arith.muli %select_n3A_7, %mul3A_109 : i32
        %mul3A_111 = arith.constant 4 : i32
        %mul3A_112 = arith.muli %scan3A_32, %mul3A_111 : i32
        %add3A_113 = arith.addi %mul3A_110, %mul3A_112 : i32
        %add3A_114 = arith.constant 3 : i32
        %add3A_115 = arith.addi %add3A_113, %add3A_114 : i32
        %mul3A_116 = arith.constant 16 : i32
        %mul3A_117 = arith.muli %add3A_115, %mul3A_116 : i32
        %get3A_118 = arith.constant 0 : i32
        %get3A_119 = arith.index_cast %get3A_118 : i32 to index
        %get3A_120 = arith.index_cast %mul3A_117 : i32 to index
        %get3A_121 = tpu.vector_load %arg6[%get3A_119, %get3A_120] {strides = array<i32>} : memref<2x2816xi32, #tpu.memory_space<vmem>>, vector<16xi32>,
        %get3A_122 = arith.constant 1 : i32
        %get3A_123 = arith.index_cast %get3A_122 : i32 to index
        %get3A_124 = arith.index_cast %mul3A_117 : i32 to index
        %get3A_125 = tpu.vector_load %arg6[%get3A_123, %get3A_124] {strides = array<i32>} : memref<2x2816xi32, #tpu.memory_space<vmem>>, vector<16xi32>,
        %mul3A_126 = arith.constant 96 : i32
        %mul3A_127 = vector.broadcast %mul3A_126 : i32 to vector<16xi32>
        %mul3A_128 = arith.muli %get3A_125, %mul3A_127 : vector<16xi32>
        %add3A_129 = arith.addi %mul3A_128, %get3A_121 : vector<16xi32>
        %broadcast_in_dim3A_130 = arith.constant true
        %broadcast_in_dim3A_131 = vector.broadcast %broadcast_in_dim3A_130 : i1 to vector<16xi1>
        %unique3A_132, %unique3A_133 = tpu.scan_count mask(%broadcast_in_dim3A_131 : vector<16xi1>) value(%add3A_129 : vector<16xi32>) : vector<16xi1>, vector<16xi32>
        %convert_element_type3A_134 = arith.sitofp %unique3A_133 : vector<16xi32> to vector<16xf32>
        tpu.vector_store_idx %arg7[%get3A_125, %get3A_121], %convert_element_type3A_134 masked %unique3A_132 {add = true} : memref<96x96xf32, #tpu.memory_space<vmem>>[vector<16xi32>, vector<16xi32>], vector<16xf32>, vector<16xi1>
        %scan3A_135 = arith.constant 0 : i32
        scf.yield %scan3A_135 : i32
      }
      %scan3A_31 = arith.constant 11 : i32
      "tpu.region"() ({
        %run_scoped3A = tpu.sem_alloc : memref<!tpu.dma_semaphore, #tpu.memory_space<semaphore_mem>>
        %dma_start3A = arith.constant 0 : i32
        %dma_start3A_32 = arith.constant 0 : i32
        %dma_start3A_33 = tpu.memref_slice %arg4[%select_n3A_7, %dma_start3A, %dma_start3A_32] : memref<4x96x96xf32, #tpu.memory_space<hbm>> -> memref<1x96x96xf32, #tpu.memory_space<hbm>>
        %dma_start3A_34 = tpu.memref_squeeze %dma_start3A_33 : memref<1x96x96xf32, #tpu.memory_space<hbm>> -> memref<96x96xf32, #tpu.memory_space<hbm>>
        %dma_start3A_35 = arith.constant 0 : i32
        %dma_start3A_36 = arith.constant 0 : i32
        %dma_start3A_37 = tpu.memref_slice %arg4[%select_n3A_7, %dma_start3A_35, %dma_start3A_36] : memref<4x96x96xf32, #tpu.memory_space<hbm>> -> memref<1x96x96xf32, #tpu.memory_space<hbm>>
        %dma_start3A_38 = tpu.memref_squeeze %dma_start3A_37 : memref<1x96x96xf32, #tpu.memory_space<hbm>> -> memref<96x96xf32, #tpu.memory_space<hbm>>
        tpu.enqueue_dma source(%arg7 : memref<96x96xf32, #tpu.memory_space<vmem>>) target(%dma_start3A_38 : memref<96x96xf32, #tpu.memory_space<hbm>>) target_semaphore(%run_scoped3A : memref<!tpu.dma_semaphore, #tpu.memory_space<semaphore_mem>>)
        %dma_wait3A = arith.constant 0 : i32
        %dma_wait3A_39 = arith.constant 0 : i32
        %dma_wait3A_40 = tpu.memref_slice %arg4[%select_n3A_7, %dma_wait3A, %dma_wait3A_39] : memref<4x96x96xf32, #tpu.memory_space<hbm>> -> memref<1x96x96xf32, #tpu.memory_space<hbm>>
        %dma_wait3A_41 = tpu.memref_squeeze %dma_wait3A_40 : memref<1x96x96xf32, #tpu.memory_space<hbm>> -> memref<96x96xf32, #tpu.memory_space<hbm>>
        %dma_wait3A_42 = arith.constant 0 : i32
        %dma_wait3A_43 = arith.constant 0 : i32
        %dma_wait3A_44 = tpu.memref_slice %arg4[%select_n3A_7, %dma_wait3A_42, %dma_wait3A_43] : memref<4x96x96xf32, #tpu.memory_space<hbm>> -> memref<1x96x96xf32, #tpu.memory_space<hbm>>
        %dma_wait3A_45 = tpu.memref_squeeze %dma_wait3A_44 : memref<1x96x96xf32, #tpu.memory_space<hbm>> -> memref<96x96xf32, #tpu.memory_space<hbm>>
        tpu.wait_dma2 semaphore(%run_scoped3A : memref<!tpu.dma_semaphore, #tpu.memory_space<semaphore_mem>>) src(%arg7 : memref<96x96xf32, #tpu.memory_space<vmem>>) dst(%dma_wait3A_45 : memref<96x96xf32, #tpu.memory_space<hbm>>)
        tpu.yield
      }) : () -> ()
    } else {
    }
    %ge3A = arith.constant 4 : i32
    %ge3A_11 = arith.cmpi sge, %arg1, %ge3A : i32
    %lt3A_12 = arith.constant 8 : i32
    %lt3A_13 = arith.cmpi slt, %arg1, %lt3A_12 : i32
    %and3A_14 = arith.andi %ge3A_11, %lt3A_13 : i1
    %convert_element_type3A_15 = arith.extui %and3A_14 : i1 to i32
    %cond3A_16 = arith.constant 0 : i32
    %cond3A_17 = arith.cmpi ne, %convert_element_type3A_15, %cond3A_16 : i32
    scf.if %cond3A_17 {
      "tpu.region"() ({
        %run_scoped3A = tpu.sem_alloc : memref<!tpu.dma_semaphore, #tpu.memory_space<semaphore_mem>>
        tpu.enqueue_dma source(%arg3 : memref<2x2816xi32, #tpu.memory_space<hbm>>) target(%arg6 : memref<2x2816xi32, #tpu.memory_space<vmem>>) target_semaphore(%run_scoped3A : memref<!tpu.dma_semaphore, #tpu.memory_space<semaphore_mem>>)
        tpu.wait_dma2 semaphore(%run_scoped3A : memref<!tpu.dma_semaphore, #tpu.memory_space<semaphore_mem>>) src(%arg3 : memref<2x2816xi32, #tpu.memory_space<hbm>>) dst(%arg6 : memref<2x2816xi32, #tpu.memory_space<vmem>>)
        tpu.yield
      }) : () -> ()
      %broadcast_in_dim3A = arith.constant 0.000000e+00 : f32
      %broadcast_in_dim3A_18 = vector.broadcast %broadcast_in_dim3A : f32 to vector<16xf32>
      %scan3A = arith.constant 0 : i32
      %scan3A_19 = arith.constant 0 : i32
      %scan3A_20 = arith.constant 96 : i32
      %scan3A_21 = arith.addi %scan3A_19, %scan3A_20 : i32
      %scan3A_22 = arith.constant 1 : i32
      %scan3A_23 = scf.for %scan3A_32 = %scan3A_19 to %scan3A_21 step %scan3A_22 iter_args(%scan3A_33 = %scan3A) -> (i32)  : i32 {
        %swap3A = arith.index_cast %scan3A_32 : i32 to index
        %swap3A_34 = arith.constant 0 : index
        %swap3A_35 = tpu.vector_load %arg7[%swap3A, %swap3A_34] {strides = array<i32>} : memref<96x96xf32, #tpu.memory_space<vmem>>, vector<16xf32>,
        tpu.vector_store %arg7[%swap3A, %swap3A_34], %broadcast_in_dim3A_18 {strides = array<i32>} : memref<96x96xf32, #tpu.memory_space<vmem>>, vector<16xf32>,
        %swap3A_36 = arith.index_cast %scan3A_32 : i32 to index
        %swap3A_37 = arith.constant 16 : index
        %swap3A_38 = tpu.vector_load %arg7[%swap3A_36, %swap3A_37] {strides = array<i32>} : memref<96x96xf32, #tpu.memory_space<vmem>>, vector<16xf32>,
        tpu.vector_store %arg7[%swap3A_36, %swap3A_37], %broadcast_in_dim3A_18 {strides = array<i32>} : memref<96x96xf32, #tpu.memory_space<vmem>>, vector<16xf32>,
        %swap3A_39 = arith.index_cast %scan3A_32 : i32 to index
        %swap3A_40 = arith.constant 32 : index
        %swap3A_41 = tpu.vector_load %arg7[%swap3A_39, %swap3A_40] {strides = array<i32>} : memref<96x96xf32, #tpu.memory_space<vmem>>, vector<16xf32>,
        tpu.vector_store %arg7[%swap3A_39, %swap3A_40], %broadcast_in_dim3A_18 {strides = array<i32>} : memref<96x96xf32, #tpu.memory_space<vmem>>, vector<16xf32>,
        %swap3A_42 = arith.index_cast %scan3A_32 : i32 to index
        %swap3A_43 = arith.constant 48 : index
        %swap3A_44 = tpu.vector_load %arg7[%swap3A_42, %swap3A_43] {strides = array<i32>} : memref<96x96xf32, #tpu.memory_space<vmem>>, vector<16xf32>,
        tpu.vector_store %arg7[%swap3A_42, %swap3A_43], %broadcast_in_dim3A_18 {strides = array<i32>} : memref<96x96xf32, #tpu.memory_space<vmem>>, vector<16xf32>,
        %swap3A_45 = arith.index_cast %scan3A_32 : i32 to index
        %swap3A_46 = arith.constant 64 : index
        %swap3A_47 = tpu.vector_load %arg7[%swap3A_45, %swap3A_46] {strides = array<i32>} : memref<96x96xf32, #tpu.memory_space<vmem>>, vector<16xf32>,
        tpu.vector_store %arg7[%swap3A_45, %swap3A_46], %broadcast_in_dim3A_18 {strides = array<i32>} : memref<96x96xf32, #tpu.memory_space<vmem>>, vector<16xf32>,
        %swap3A_48 = arith.index_cast %scan3A_32 : i32 to index
        %swap3A_49 = arith.constant 80 : index
        %swap3A_50 = tpu.vector_load %arg7[%swap3A_48, %swap3A_49] {strides = array<i32>} : memref<96x96xf32, #tpu.memory_space<vmem>>, vector<16xf32>,
        tpu.vector_store %arg7[%swap3A_48, %swap3A_49], %broadcast_in_dim3A_18 {strides = array<i32>} : memref<96x96xf32, #tpu.memory_space<vmem>>, vector<16xf32>,
        %scan3A_51 = arith.constant 0 : i32
        scf.yield %scan3A_51 : i32
      }
      %scan3A_24 = arith.constant 96 : i32
      %scan3A_25 = arith.constant 0 : i32
      %scan3A_26 = arith.constant 0 : i32
      %scan3A_27 = arith.constant 11 : i32
      %scan3A_28 = arith.addi %scan3A_26, %scan3A_27 : i32
      %scan3A_29 = arith.constant 1 : i32
      %scan3A_30 = scf.for %scan3A_32 = %scan3A_26 to %scan3A_28 step %scan3A_29 iter_args(%scan3A_33 = %scan3A_25) -> (i32)  : i32 {
        %mul3A = arith.constant 44 : i32
        %mul3A_34 = arith.muli %select_n3A_7, %mul3A : i32
        %mul3A_35 = arith.constant 4 : i32
        %mul3A_36 = arith.muli %scan3A_32, %mul3A_35 : i32
        %add3A_37 = arith.addi %mul3A_34, %mul3A_36 : i32
        %add3A_38 = arith.constant 0 : i32
        %add3A_39 = arith.addi %add3A_37, %add3A_38 : i32
        %mul3A_40 = arith.constant 16 : i32
        %mul3A_41 = arith.muli %add3A_39, %mul3A_40 : i32
        %get3A = arith.constant 0 : i32
        %get3A_42 = arith.index_cast %get3A : i32 to index
        %get3A_43 = arith.index_cast %mul3A_41 : i32 to index
        %get3A_44 = tpu.vector_load %arg6[%get3A_42, %get3A_43] {strides = array<i32>} : memref<2x2816xi32, #tpu.memory_space<vmem>>, vector<16xi32>,
        %get3A_45 = arith.constant 1 : i32
        %get3A_46 = arith.index_cast %get3A_45 : i32 to index
        %get3A_47 = arith.index_cast %mul3A_41 : i32 to index
        %get3A_48 = tpu.vector_load %arg6[%get3A_46, %get3A_47] {strides = array<i32>} : memref<2x2816xi32, #tpu.memory_space<vmem>>, vector<16xi32>,
        %mul3A_49 = arith.constant 96 : i32
        %mul3A_50 = vector.broadcast %mul3A_49 : i32 to vector<16xi32>
        %mul3A_51 = arith.muli %get3A_48, %mul3A_50 : vector<16xi32>
        %add3A_52 = arith.addi %mul3A_51, %get3A_44 : vector<16xi32>
        %broadcast_in_dim3A_53 = arith.constant true
        %broadcast_in_dim3A_54 = vector.broadcast %broadcast_in_dim3A_53 : i1 to vector<16xi1>
        %unique3A, %unique3A_55 = tpu.scan_count mask(%broadcast_in_dim3A_54 : vector<16xi1>) value(%add3A_52 : vector<16xi32>) : vector<16xi1>, vector<16xi32>
        %convert_element_type3A_56 = arith.sitofp %unique3A_55 : vector<16xi32> to vector<16xf32>
        tpu.vector_store_idx %arg7[%get3A_48, %get3A_44], %convert_element_type3A_56 masked %unique3A {add = true} : memref<96x96xf32, #tpu.memory_space<vmem>>[vector<16xi32>, vector<16xi32>], vector<16xf32>, vector<16xi1>
        %mul3A_57 = arith.constant 44 : i32
        %mul3A_58 = arith.muli %select_n3A_7, %mul3A_57 : i32
        %mul3A_59 = arith.constant 4 : i32
        %mul3A_60 = arith.muli %scan3A_32, %mul3A_59 : i32
        %add3A_61 = arith.addi %mul3A_58, %mul3A_60 : i32
        %add3A_62 = arith.constant 1 : i32
        %add3A_63 = arith.addi %add3A_61, %add3A_62 : i32
        %mul3A_64 = arith.constant 16 : i32
        %mul3A_65 = arith.muli %add3A_63, %mul3A_64 : i32
        %get3A_66 = arith.constant 0 : i32
        %get3A_67 = arith.index_cast %get3A_66 : i32 to index
        %get3A_68 = arith.index_cast %mul3A_65 : i32 to index
        %get3A_69 = tpu.vector_load %arg6[%get3A_67, %get3A_68] {strides = array<i32>} : memref<2x2816xi32, #tpu.memory_space<vmem>>, vector<16xi32>,
        %get3A_70 = arith.constant 1 : i32
        %get3A_71 = arith.index_cast %get3A_70 : i32 to index
        %get3A_72 = arith.index_cast %mul3A_65 : i32 to index
        %get3A_73 = tpu.vector_load %arg6[%get3A_71, %get3A_72] {strides = array<i32>} : memref<2x2816xi32, #tpu.memory_space<vmem>>, vector<16xi32>,
        %mul3A_74 = arith.constant 96 : i32
        %mul3A_75 = vector.broadcast %mul3A_74 : i32 to vector<16xi32>
        %mul3A_76 = arith.muli %get3A_73, %mul3A_75 : vector<16xi32>
        %add3A_77 = arith.addi %mul3A_76, %get3A_69 : vector<16xi32>
        %broadcast_in_dim3A_78 = arith.constant true
        %broadcast_in_dim3A_79 = vector.broadcast %broadcast_in_dim3A_78 : i1 to vector<16xi1>
        %unique3A_80, %unique3A_81 = tpu.scan_count mask(%broadcast_in_dim3A_79 : vector<16xi1>) value(%add3A_77 : vector<16xi32>) : vector<16xi1>, vector<16xi32>
        %convert_element_type3A_82 = arith.sitofp %unique3A_81 : vector<16xi32> to vector<16xf32>
        tpu.vector_store_idx %arg7[%get3A_73, %get3A_69], %convert_element_type3A_82 masked %unique3A_80 {add = true} : memref<96x96xf32, #tpu.memory_space<vmem>>[vector<16xi32>, vector<16xi32>], vector<16xf32>, vector<16xi1>
        %mul3A_83 = arith.constant 44 : i32
        %mul3A_84 = arith.muli %select_n3A_7, %mul3A_83 : i32
        %mul3A_85 = arith.constant 4 : i32
        %mul3A_86 = arith.muli %scan3A_32, %mul3A_85 : i32
        %add3A_87 = arith.addi %mul3A_84, %mul3A_86 : i32
        %add3A_88 = arith.constant 2 : i32
        %add3A_89 = arith.addi %add3A_87, %add3A_88 : i32
        %mul3A_90 = arith.constant 16 : i32
        %mul3A_91 = arith.muli %add3A_89, %mul3A_90 : i32
        %get3A_92 = arith.constant 0 : i32
        %get3A_93 = arith.index_cast %get3A_92 : i32 to index
        %get3A_94 = arith.index_cast %mul3A_91 : i32 to index
        %get3A_95 = tpu.vector_load %arg6[%get3A_93, %get3A_94] {strides = array<i32>} : memref<2x2816xi32, #tpu.memory_space<vmem>>, vector<16xi32>,
        %get3A_96 = arith.constant 1 : i32
        %get3A_97 = arith.index_cast %get3A_96 : i32 to index
        %get3A_98 = arith.index_cast %mul3A_91 : i32 to index
        %get3A_99 = tpu.vector_load %arg6[%get3A_97, %get3A_98] {strides = array<i32>} : memref<2x2816xi32, #tpu.memory_space<vmem>>, vector<16xi32>,
        %mul3A_100 = arith.constant 96 : i32
        %mul3A_101 = vector.broadcast %mul3A_100 : i32 to vector<16xi32>
        %mul3A_102 = arith.muli %get3A_99, %mul3A_101 : vector<16xi32>
        %add3A_103 = arith.addi %mul3A_102, %get3A_95 : vector<16xi32>
        %broadcast_in_dim3A_104 = arith.constant true
        %broadcast_in_dim3A_105 = vector.broadcast %broadcast_in_dim3A_104 : i1 to vector<16xi1>
        %unique3A_106, %unique3A_107 = tpu.scan_count mask(%broadcast_in_dim3A_105 : vector<16xi1>) value(%add3A_103 : vector<16xi32>) : vector<16xi1>, vector<16xi32>
        %convert_element_type3A_108 = arith.sitofp %unique3A_107 : vector<16xi32> to vector<16xf32>
        tpu.vector_store_idx %arg7[%get3A_99, %get3A_95], %convert_element_type3A_108 masked %unique3A_106 {add = true} : memref<96x96xf32, #tpu.memory_space<vmem>>[vector<16xi32>, vector<16xi32>], vector<16xf32>, vector<16xi1>
        %mul3A_109 = arith.constant 44 : i32
        %mul3A_110 = arith.muli %select_n3A_7, %mul3A_109 : i32
        %mul3A_111 = arith.constant 4 : i32
        %mul3A_112 = arith.muli %scan3A_32, %mul3A_111 : i32
        %add3A_113 = arith.addi %mul3A_110, %mul3A_112 : i32
        %add3A_114 = arith.constant 3 : i32
        %add3A_115 = arith.addi %add3A_113, %add3A_114 : i32
        %mul3A_116 = arith.constant 16 : i32
        %mul3A_117 = arith.muli %add3A_115, %mul3A_116 : i32
        %get3A_118 = arith.constant 0 : i32
        %get3A_119 = arith.index_cast %get3A_118 : i32 to index
        %get3A_120 = arith.index_cast %mul3A_117 : i32 to index
        %get3A_121 = tpu.vector_load %arg6[%get3A_119, %get3A_120] {strides = array<i32>} : memref<2x2816xi32, #tpu.memory_space<vmem>>, vector<16xi32>,
        %get3A_122 = arith.constant 1 : i32
        %get3A_123 = arith.index_cast %get3A_122 : i32 to index
        %get3A_124 = arith.index_cast %mul3A_117 : i32 to index
        %get3A_125 = tpu.vector_load %arg6[%get3A_123, %get3A_124] {strides = array<i32>} : memref<2x2816xi32, #tpu.memory_space<vmem>>, vector<16xi32>,
        %mul3A_126 = arith.constant 96 : i32
        %mul3A_127 = vector.broadcast %mul3A_126 : i32 to vector<16xi32>
        %mul3A_128 = arith.muli %get3A_125, %mul3A_127 : vector<16xi32>
        %add3A_129 = arith.addi %mul3A_128, %get3A_121 : vector<16xi32>
        %broadcast_in_dim3A_130 = arith.constant true
        %broadcast_in_dim3A_131 = vector.broadcast %broadcast_in_dim3A_130 : i1 to vector<16xi1>
        %unique3A_132, %unique3A_133 = tpu.scan_count mask(%broadcast_in_dim3A_131 : vector<16xi1>) value(%add3A_129 : vector<16xi32>) : vector<16xi1>, vector<16xi32>
        %convert_element_type3A_134 = arith.sitofp %unique3A_133 : vector<16xi32> to vector<16xf32>
        tpu.vector_store_idx %arg7[%get3A_125, %get3A_121], %convert_element_type3A_134 masked %unique3A_132 {add = true} : memref<96x96xf32, #tpu.memory_space<vmem>>[vector<16xi32>, vector<16xi32>], vector<16xf32>, vector<16xi1>
        %scan3A_135 = arith.constant 0 : i32
        scf.yield %scan3A_135 : i32
      }
      %scan3A_31 = arith.constant 11 : i32
      "tpu.region"() ({
        %run_scoped3A = tpu.sem_alloc : memref<!tpu.dma_semaphore, #tpu.memory_space<semaphore_mem>>
        %dma_start3A = arith.constant 0 : i32
        %dma_start3A_32 = arith.constant 0 : i32
        %dma_start3A_33 = tpu.memref_slice %arg5[%select_n3A_7, %dma_start3A, %dma_start3A_32] : memref<4x96x96xf32, #tpu.memory_space<hbm>> -> memref<1x96x96xf32, #tpu.memory_space<hbm>>
        %dma_start3A_34 = tpu.memref_squeeze %dma_start3A_33 : memref<1x96x96xf32, #tpu.memory_space<hbm>> -> memref<96x96xf32, #tpu.memory_space<hbm>>
        %dma_start3A_35 = arith.constant 0 : i32
        %dma_start3A_36 = arith.constant 0 : i32
        %dma_start3A_37 = tpu.memref_slice %arg5[%select_n3A_7, %dma_start3A_35, %dma_start3A_36] : memref<4x96x96xf32, #tpu.memory_space<hbm>> -> memref<1x96x96xf32, #tpu.memory_space<hbm>>
        %dma_start3A_38 = tpu.memref_squeeze %dma_start3A_37 : memref<1x96x96xf32, #tpu.memory_space<hbm>> -> memref<96x96xf32, #tpu.memory_space<hbm>>
        tpu.enqueue_dma source(%arg7 : memref<96x96xf32, #tpu.memory_space<vmem>>) target(%dma_start3A_38 : memref<96x96xf32, #tpu.memory_space<hbm>>) target_semaphore(%run_scoped3A : memref<!tpu.dma_semaphore, #tpu.memory_space<semaphore_mem>>)
        %dma_wait3A = arith.constant 0 : i32
        %dma_wait3A_39 = arith.constant 0 : i32
        %dma_wait3A_40 = tpu.memref_slice %arg5[%select_n3A_7, %dma_wait3A, %dma_wait3A_39] : memref<4x96x96xf32, #tpu.memory_space<hbm>> -> memref<1x96x96xf32, #tpu.memory_space<hbm>>
        %dma_wait3A_41 = tpu.memref_squeeze %dma_wait3A_40 : memref<1x96x96xf32, #tpu.memory_space<hbm>> -> memref<96x96xf32, #tpu.memory_space<hbm>>
        %dma_wait3A_42 = arith.constant 0 : i32
        %dma_wait3A_43 = arith.constant 0 : i32
        %dma_wait3A_44 = tpu.memref_slice %arg5[%select_n3A_7, %dma_wait3A_42, %dma_wait3A_43] : memref<4x96x96xf32, #tpu.memory_space<hbm>> -> memref<1x96x96xf32, #tpu.memory_space<hbm>>
        %dma_wait3A_45 = tpu.memref_squeeze %dma_wait3A_44 : memref<1x96x96xf32, #tpu.memory_space<hbm>> -> memref<96x96xf32, #tpu.memory_space<hbm>>
        tpu.wait_dma2 semaphore(%run_scoped3A : memref<!tpu.dma_semaphore, #tpu.memory_space<semaphore_mem>>) src(%arg7 : memref<96x96xf32, #tpu.memory_space<vmem>>) dst(%dma_wait3A_45 : memref<96x96xf32, #tpu.memory_space<hbm>>)
        tpu.yield
      }) : () -> ()
    } else {
    }
    return
  }
}

module attributes {stable_mosaic.version = 14 : i64} {
  func.func @_xw_body(%arg0: memref<90x90xf32, #tpu.memory_space<vmem>>, %arg1: memref<90x90xf32, #tpu.memory_space<vmem>>, %arg2: memref<90x256xf32, #tpu.memory_space<vmem>>, %arg3: memref<90x256xf32, #tpu.memory_space<vmem>>, %arg4: memref<90x256xf32, #tpu.memory_space<vmem>>) attributes {dimension_semantics = [], scalar_prefetch = 0 : i64, scratch_operands = 0 : i64, tpu.core_type = #tpu.core_type<tc>} {
    %get3A = arith.constant 0 : index
    %get3A_0 = arith.constant 0 : index
    %get3A_1 = vector.load %arg2[%get3A, %get3A_0] : memref<90x256xf32, #tpu.memory_space<vmem>>, vector<90x256xf32>
    %get3A_2 = arith.constant 0 : index
    %get3A_3 = arith.constant 0 : index
    %get3A_4 = vector.load %arg0[%get3A_2, %get3A_3] : memref<90x90xf32, #tpu.memory_space<vmem>>, vector<90x90xf32>
    %dot_general3A = arith.constant dense<0.000000e+00> : vector<90x256xf32>
    %dot_general3A_5 = tpu.matmul %get3A_4, %get3A_1, %dot_general3A {dimension_numbers = #tpu.dot_dimension_numbers<[1], [0], [0], [1], [0, 0, 1, 1], [], []>, transpose_lhs_hint = false} : vector<90x90xf32>, vector<90x256xf32>, vector<90x256xf32> -> vector<90x256xf32>
    %swap3A = arith.constant 0 : index
    %swap3A_6 = arith.constant 0 : index
    %swap3A_7 = vector.load %arg3[%swap3A, %swap3A_6] : memref<90x256xf32, #tpu.memory_space<vmem>>, vector<90x256xf32>
    tpu.vector_store %arg3[%swap3A, %swap3A_6], %dot_general3A_5 {strides = array<i32>} : memref<90x256xf32, #tpu.memory_space<vmem>>, vector<90x256xf32>,
    %get3A_8 = arith.constant 0 : index
    %get3A_9 = arith.constant 0 : index
    %get3A_10 = vector.load %arg1[%get3A_8, %get3A_9] : memref<90x90xf32, #tpu.memory_space<vmem>>, vector<90x90xf32>
    %dot_general3A_11 = arith.constant dense<0.000000e+00> : vector<90x256xf32>
    %dot_general3A_12 = tpu.matmul %get3A_10, %get3A_1, %dot_general3A_11 {dimension_numbers = #tpu.dot_dimension_numbers<[1], [0], [0], [1], [0, 0, 1, 1], [], []>, transpose_lhs_hint = false} : vector<90x90xf32>, vector<90x256xf32>, vector<90x256xf32> -> vector<90x256xf32>
    %swap3A_13 = arith.constant 0 : index
    %swap3A_14 = arith.constant 0 : index
    %swap3A_15 = vector.load %arg4[%swap3A_13, %swap3A_14] : memref<90x256xf32, #tpu.memory_space<vmem>>, vector<90x256xf32>
    tpu.vector_store %arg4[%swap3A_13, %swap3A_14], %dot_general3A_12 {strides = array<i32>} : memref<90x256xf32, #tpu.memory_space<vmem>>, vector<90x256xf32>,
    return
  }
}

module attributes {stable_mosaic.version = 14 : i64} {
  func.func @_fused_body(%arg0: memref<4x96x96xf32, #tpu.memory_space<vmem>>, %arg1: memref<4x96x96xf32, #tpu.memory_space<vmem>>, %arg2: memref<90x256xf32, #tpu.memory_space<vmem>>, %arg3: memref<90x256xf32, #tpu.memory_space<vmem>>, %arg4: memref<256xf32, #tpu.memory_space<vmem>>, %arg5: memref<512x256xf32, #tpu.memory_space<vmem>>, %arg6: memref<256xf32, #tpu.memory_space<vmem>>, %arg7: memref<256x256xf32, #tpu.memory_space<vmem>>, %arg8: memref<90x512xf32, #tpu.memory_space<vmem>>, %arg9: memref<90x512xf32, #tpu.memory_space<vmem>>, %arg10: memref<90x512xf32, #tpu.memory_space<vmem>>, %arg11: memref<90x512xf32, #tpu.memory_space<vmem>>) attributes {dimension_semantics = [], scalar_prefetch = 0 : i64, scratch_operands = 0 : i64, tpu.core_type = #tpu.core_type<tc>} {
    %get3A = arith.constant 0 : index
    %get3A_0 = arith.constant 0 : index
    %get3A_1 = arith.constant 0 : index
    %get3A_2 = vector.load %arg0[%get3A, %get3A_0, %get3A_1] : memref<4x96x96xf32, #tpu.memory_space<vmem>>, vector<4x96x96xf32>
    %reduce_sum3A = arith.constant dense<0.000000e+00> : vector<96x96xf32>
    %reduce_sum3A_3 = vector.multi_reduction <add>, %get3A_2, %reduce_sum3A [0] : vector<4x96x96xf32> to vector<96x96xf32>
    %slice3A = vector.extract_strided_slice %reduce_sum3A_3 {offsets = [0, 0], sizes = [90, 90], strides = [1, 1]} : vector<96x96xf32> to vector<90x90xf32>
    %get3A_4 = arith.constant 0 : index
    %get3A_5 = arith.constant 0 : index
    %get3A_6 = arith.constant 0 : index
    %get3A_7 = vector.load %arg1[%get3A_4, %get3A_5, %get3A_6] : memref<4x96x96xf32, #tpu.memory_space<vmem>>, vector<4x96x96xf32>
    %reduce_sum3A_8 = arith.constant dense<0.000000e+00> : vector<96x96xf32>
    %reduce_sum3A_9 = vector.multi_reduction <add>, %get3A_7, %reduce_sum3A_8 [0] : vector<4x96x96xf32> to vector<96x96xf32>
    %slice3A_10 = vector.extract_strided_slice %reduce_sum3A_9 {offsets = [0, 0], sizes = [90, 90], strides = [1, 1]} : vector<96x96xf32> to vector<90x90xf32>
    %get3A_11 = arith.constant 0 : index
    %get3A_12 = vector.load %arg4[%get3A_11] : memref<256xf32, #tpu.memory_space<vmem>>, vector<256xf32>
    %reshape3A = vector.shape_cast %get3A_12 : vector<256xf32> to vector<1x256xf32>
    %get3A_13 = arith.constant 0 : index
    %get3A_14 = arith.constant 0 : index
    %get3A_15 = vector.load %arg5[%get3A_13, %get3A_14] : memref<512x256xf32, #tpu.memory_space<vmem>>, vector<512x256xf32>
    %get3A_16 = arith.constant 0 : index
    %get3A_17 = vector.load %arg6[%get3A_16] : memref<256xf32, #tpu.memory_space<vmem>>, vector<256xf32>
    %reshape3A_18 = vector.shape_cast %get3A_17 : vector<256xf32> to vector<1x256xf32>
    %get3A_19 = arith.constant 0 : index
    %get3A_20 = arith.constant 0 : index
    %get3A_21 = vector.load %arg7[%get3A_19, %get3A_20] : memref<256x256xf32, #tpu.memory_space<vmem>>, vector<256x256xf32>
    %get3A_22 = arith.constant 0 : index
    %get3A_23 = arith.constant 0 : index
    %get3A_24 = vector.load %arg2[%get3A_22, %get3A_23] : memref<90x256xf32, #tpu.memory_space<vmem>>, vector<90x256xf32>
    %reduce_sum3A_25 = arith.constant dense<0.000000e+00> : vector<90xf32>
    %reduce_sum3A_26 = vector.multi_reduction <add>, %slice3A, %reduce_sum3A_25 [1] : vector<90x90xf32> to vector<90xf32>
    %broadcast_in_dim3A = vector.shape_cast %reduce_sum3A_26 : vector<90xf32> to vector<90x1xf32>
    %gt3A = arith.constant 0.000000e+00 : f32
    %gt3A_27 = vector.broadcast %gt3A : f32 to vector<90x1xf32>
    %gt3A_28 = arith.cmpf ogt, %broadcast_in_dim3A, %gt3A_27 : vector<90x1xf32>
    %max3A = arith.constant 9.99999996E-13 : f32
    %max3A_29 = vector.broadcast %max3A : f32 to vector<90x1xf32>
    %max3A_30 = arith.maximumf %broadcast_in_dim3A, %max3A_29 : vector<90x1xf32>
    %rsqrt3A = math.rsqrt %max3A_30 : vector<90x1xf32>
    %jit3A = arith.constant 0.000000e+00 : f32
    %broadcast_in_dim3A_31 = vector.broadcast %jit3A : f32 to vector<90x1xf32>
    %select_n3A = arith.select %gt3A_28, %rsqrt3A, %broadcast_in_dim3A_31 : vector<90x1xi1>, vector<90x1xf32>
    %mul3A = vector.broadcast %select_n3A : vector<90x1xf32> to vector<90x256xf32>
    %mul3A_32 = arith.mulf %mul3A, %get3A_24 : vector<90x256xf32>
    %dot_general3A = arith.constant dense<0.000000e+00> : vector<90x256xf32>
    %dot_general3A_33 = tpu.matmul %slice3A, %mul3A_32, %dot_general3A {dimension_numbers = #tpu.dot_dimension_numbers<[1], [0], [0], [1], [0, 0, 1, 1], [], []>, transpose_lhs_hint = false} : vector<90x90xf32>, vector<90x256xf32>, vector<90x256xf32> -> vector<90x256xf32>
    %mul3A_34 = vector.broadcast %select_n3A : vector<90x1xf32> to vector<90x256xf32>
    %mul3A_35 = arith.mulf %mul3A_34, %dot_general3A_33 : vector<90x256xf32>
    %add3A = vector.broadcast %reshape3A : vector<1x256xf32> to vector<90x256xf32>
    %add3A_36 = arith.addf %mul3A_35, %add3A : vector<90x256xf32>
    %max3A_37 = arith.constant 0.000000e+00 : f32
    %max3A_38 = vector.broadcast %max3A_37 : f32 to vector<90x256xf32>
    %max3A_39 = arith.maximumf %add3A_36, %max3A_38 : vector<90x256xf32>
    %get3A_40 = arith.constant 0 : index
    %get3A_41 = arith.constant 0 : index
    %get3A_42 = vector.load %arg3[%get3A_40, %get3A_41] : memref<90x256xf32, #tpu.memory_space<vmem>>, vector<90x256xf32>
    %reduce_sum3A_43 = arith.constant dense<0.000000e+00> : vector<90xf32>
    %reduce_sum3A_44 = vector.multi_reduction <add>, %slice3A_10, %reduce_sum3A_43 [1] : vector<90x90xf32> to vector<90xf32>
    %broadcast_in_dim3A_45 = vector.shape_cast %reduce_sum3A_44 : vector<90xf32> to vector<90x1xf32>
    %gt3A_46 = arith.constant 0.000000e+00 : f32
    %gt3A_47 = vector.broadcast %gt3A_46 : f32 to vector<90x1xf32>
    %gt3A_48 = arith.cmpf ogt, %broadcast_in_dim3A_45, %gt3A_47 : vector<90x1xf32>
    %max3A_49 = arith.constant 9.99999996E-13 : f32
    %max3A_50 = vector.broadcast %max3A_49 : f32 to vector<90x1xf32>
    %max3A_51 = arith.maximumf %broadcast_in_dim3A_45, %max3A_50 : vector<90x1xf32>
    %rsqrt3A_52 = math.rsqrt %max3A_51 : vector<90x1xf32>
    %jit3A_53 = arith.constant 0.000000e+00 : f32
    %broadcast_in_dim3A_54 = vector.broadcast %jit3A_53 : f32 to vector<90x1xf32>
    %select_n3A_55 = arith.select %gt3A_48, %rsqrt3A_52, %broadcast_in_dim3A_54 : vector<90x1xi1>, vector<90x1xf32>
    %mul3A_56 = vector.broadcast %select_n3A_55 : vector<90x1xf32> to vector<90x256xf32>
    %mul3A_57 = arith.mulf %mul3A_56, %get3A_42 : vector<90x256xf32>
    %dot_general3A_58 = arith.constant dense<0.000000e+00> : vector<90x256xf32>
    %dot_general3A_59 = tpu.matmul %slice3A_10, %mul3A_57, %dot_general3A_58 {dimension_numbers = #tpu.dot_dimension_numbers<[1], [0], [0], [1], [0, 0, 1, 1], [], []>, transpose_lhs_hint = false} : vector<90x90xf32>, vector<90x256xf32>, vector<90x256xf32> -> vector<90x256xf32>
    %mul3A_60 = vector.broadcast %select_n3A_55 : vector<90x1xf32> to vector<90x256xf32>
    %mul3A_61 = arith.mulf %mul3A_60, %dot_general3A_59 : vector<90x256xf32>
    %add3A_62 = vector.broadcast %reshape3A : vector<1x256xf32> to vector<90x256xf32>
    %add3A_63 = arith.addf %mul3A_61, %add3A_62 : vector<90x256xf32>
    %max3A_64 = arith.constant 0.000000e+00 : f32
    %max3A_65 = vector.broadcast %max3A_64 : f32 to vector<90x256xf32>
    %max3A_66 = arith.maximumf %add3A_63, %max3A_65 : vector<90x256xf32>
    %dot_general3A_67 = arith.constant dense<0.000000e+00> : vector<90x256xf32>
    %dot_general3A_68 = tpu.matmul %max3A_39, %get3A_21, %dot_general3A_67 {dimension_numbers = #tpu.dot_dimension_numbers<[1], [0], [0], [1], [0, 0, 1, 1], [], []>, transpose_lhs_hint = false} : vector<90x256xf32>, vector<256x256xf32>, vector<90x256xf32> -> vector<90x256xf32>
    %dot_general3A_69 = arith.constant dense<0.000000e+00> : vector<90x90xf32>
    %dot_general3A_70 = tpu.matmul %dot_general3A_68, %max3A_66, %dot_general3A_69 {dimension_numbers = #tpu.dot_dimension_numbers<[1], [1], [0], [0], [0, 0, 1, 0], [], []>, transpose_lhs_hint = false} : vector<90x256xf32>, vector<90x256xf32>, vector<90x90xf32> -> vector<90x90xf32>
    %tanh3A = math.tanh %dot_general3A_70 : vector<90x90xf32>
    %dot_general3A_71 = arith.constant dense<0.000000e+00> : vector<90x90xf32>
    %dot_general3A_72 = tpu.matmul %max3A_66, %dot_general3A_68, %dot_general3A_71 {dimension_numbers = #tpu.dot_dimension_numbers<[1], [1], [0], [0], [0, 0, 1, 0], [], []>, transpose_lhs_hint = false} : vector<90x256xf32>, vector<90x256xf32>, vector<90x90xf32> -> vector<90x90xf32>
    %tanh3A_73 = math.tanh %dot_general3A_72 : vector<90x90xf32>
    %exp3A = math.exp %tanh3A : vector<90x90xf32>
    %exp3A_74 = math.exp %tanh3A_73 : vector<90x90xf32>
    %reduce_sum3A_75 = arith.constant dense<0.000000e+00> : vector<90xf32>
    %reduce_sum3A_76 = vector.multi_reduction <add>, %exp3A, %reduce_sum3A_75 [1] : vector<90x90xf32> to vector<90xf32>
    %broadcast_in_dim3A_77 = vector.shape_cast %reduce_sum3A_76 : vector<90xf32> to vector<90x1xf32>
    %div3A = vector.broadcast %broadcast_in_dim3A_77 : vector<90x1xf32> to vector<90x90xf32>
    %div3A_78 = arith.divf %exp3A, %div3A : vector<90x90xf32>
    %reduce_sum3A_79 = arith.constant dense<0.000000e+00> : vector<90xf32>
    %reduce_sum3A_80 = vector.multi_reduction <add>, %exp3A_74, %reduce_sum3A_79 [1] : vector<90x90xf32> to vector<90xf32>
    %broadcast_in_dim3A_81 = vector.shape_cast %reduce_sum3A_80 : vector<90xf32> to vector<90x1xf32>
    %div3A_82 = vector.broadcast %broadcast_in_dim3A_81 : vector<90x1xf32> to vector<90x90xf32>
    %div3A_83 = arith.divf %exp3A_74, %div3A_82 : vector<90x90xf32>
    %dot_general3A_84 = arith.constant dense<0.000000e+00> : vector<90x256xf32>
    %dot_general3A_85 = tpu.matmul %div3A_78, %max3A_66, %dot_general3A_84 {dimension_numbers = #tpu.dot_dimension_numbers<[1], [0], [0], [1], [0, 0, 1, 1], [], []>, transpose_lhs_hint = false} : vector<90x90xf32>, vector<90x256xf32>, vector<90x256xf32> -> vector<90x256xf32>
    %dot_general3A_86 = arith.constant dense<0.000000e+00> : vector<90x256xf32>
    %dot_general3A_87 = tpu.matmul %div3A_83, %max3A_39, %dot_general3A_86 {dimension_numbers = #tpu.dot_dimension_numbers<[1], [0], [0], [1], [0, 0, 1, 1], [], []>, transpose_lhs_hint = false} : vector<90x90xf32>, vector<90x256xf32>, vector<90x256xf32> -> vector<90x256xf32>
    %concatenate3A = tpu.concatenate %max3A_39, %dot_general3A_85 in 1 : vector<90x256xf32>, vector<90x256xf32> -> vector<90x512xf32>
    %concatenate3A_88 = tpu.concatenate %max3A_66, %dot_general3A_87 in 1 : vector<90x256xf32>, vector<90x256xf32> -> vector<90x512xf32>
    %dot_general3A_89 = arith.constant dense<0.000000e+00> : vector<90x256xf32>
    %dot_general3A_90 = tpu.matmul %concatenate3A, %get3A_15, %dot_general3A_89 {dimension_numbers = #tpu.dot_dimension_numbers<[1], [0], [0], [1], [0, 0, 1, 1], [], []>, transpose_lhs_hint = false} : vector<90x512xf32>, vector<512x256xf32>, vector<90x256xf32> -> vector<90x256xf32>
    %reduce_sum3A_91 = arith.constant dense<0.000000e+00> : vector<90xf32>
    %reduce_sum3A_92 = vector.multi_reduction <add>, %slice3A, %reduce_sum3A_91 [1] : vector<90x90xf32> to vector<90xf32>
    %broadcast_in_dim3A_93 = vector.shape_cast %reduce_sum3A_92 : vector<90xf32> to vector<90x1xf32>
    %gt3A_94 = arith.constant 0.000000e+00 : f32
    %gt3A_95 = vector.broadcast %gt3A_94 : f32 to vector<90x1xf32>
    %gt3A_96 = arith.cmpf ogt, %broadcast_in_dim3A_93, %gt3A_95 : vector<90x1xf32>
    %max3A_97 = arith.constant 9.99999996E-13 : f32
    %max3A_98 = vector.broadcast %max3A_97 : f32 to vector<90x1xf32>
    %max3A_99 = arith.maximumf %broadcast_in_dim3A_93, %max3A_98 : vector<90x1xf32>
    %rsqrt3A_100 = math.rsqrt %max3A_99 : vector<90x1xf32>
    %jit3A_101 = arith.constant 0.000000e+00 : f32
    %broadcast_in_dim3A_102 = vector.broadcast %jit3A_101 : f32 to vector<90x1xf32>
    %select_n3A_103 = arith.select %gt3A_96, %rsqrt3A_100, %broadcast_in_dim3A_102 : vector<90x1xi1>, vector<90x1xf32>
    %mul3A_104 = vector.broadcast %select_n3A_103 : vector<90x1xf32> to vector<90x256xf32>
    %mul3A_105 = arith.mulf %mul3A_104, %dot_general3A_90 : vector<90x256xf32>
    %dot_general3A_106 = arith.constant dense<0.000000e+00> : vector<90x256xf32>
    %dot_general3A_107 = tpu.matmul %slice3A, %mul3A_105, %dot_general3A_106 {dimension_numbers = #tpu.dot_dimension_numbers<[1], [0], [0], [1], [0, 0, 1, 1], [], []>, transpose_lhs_hint = false} : vector<90x90xf32>, vector<90x256xf32>, vector<90x256xf32> -> vector<90x256xf32>
    %mul3A_108 = vector.broadcast %select_n3A_103 : vector<90x1xf32> to vector<90x256xf32>
    %mul3A_109 = arith.mulf %mul3A_108, %dot_general3A_107 : vector<90x256xf32>
    %add3A_110 = vector.broadcast %reshape3A_18 : vector<1x256xf32> to vector<90x256xf32>
    %add3A_111 = arith.addf %mul3A_109, %add3A_110 : vector<90x256xf32>
    %max3A_112 = arith.constant 0.000000e+00 : f32
    %max3A_113 = vector.broadcast %max3A_112 : f32 to vector<90x256xf32>
    %max3A_114 = arith.maximumf %add3A_111, %max3A_113 : vector<90x256xf32>
    %dot_general3A_115 = arith.constant dense<0.000000e+00> : vector<90x256xf32>
    %dot_general3A_116 = tpu.matmul %concatenate3A_88, %get3A_15, %dot_general3A_115 {dimension_numbers = #tpu.dot_dimension_numbers<[1], [0], [0], [1], [0, 0, 1, 1], [], []>, transpose_lhs_hint = false} : vector<90x512xf32>, vector<512x256xf32>, vector<90x256xf32> -> vector<90x256xf32>
    %reduce_sum3A_117 = arith.constant dense<0.000000e+00> : vector<90xf32>
    %reduce_sum3A_118 = vector.multi_reduction <add>, %slice3A_10, %reduce_sum3A_117 [1] : vector<90x90xf32> to vector<90xf32>
    %broadcast_in_dim3A_119 = vector.shape_cast %reduce_sum3A_118 : vector<90xf32> to vector<90x1xf32>
    %gt3A_120 = arith.constant 0.000000e+00 : f32
    %gt3A_121 = vector.broadcast %gt3A_120 : f32 to vector<90x1xf32>
    %gt3A_122 = arith.cmpf ogt, %broadcast_in_dim3A_119, %gt3A_121 : vector<90x1xf32>
    %max3A_123 = arith.constant 9.99999996E-13 : f32
    %max3A_124 = vector.broadcast %max3A_123 : f32 to vector<90x1xf32>
    %max3A_125 = arith.maximumf %broadcast_in_dim3A_119, %max3A_124 : vector<90x1xf32>
    %rsqrt3A_126 = math.rsqrt %max3A_125 : vector<90x1xf32>
    %jit3A_127 = arith.constant 0.000000e+00 : f32
    %broadcast_in_dim3A_128 = vector.broadcast %jit3A_127 : f32 to vector<90x1xf32>
    %select_n3A_129 = arith.select %gt3A_122, %rsqrt3A_126, %broadcast_in_dim3A_128 : vector<90x1xi1>, vector<90x1xf32>
    %mul3A_130 = vector.broadcast %select_n3A_129 : vector<90x1xf32> to vector<90x256xf32>
    %mul3A_131 = arith.mulf %mul3A_130, %dot_general3A_116 : vector<90x256xf32>
    %dot_general3A_132 = arith.constant dense<0.000000e+00> : vector<90x256xf32>
    %dot_general3A_133 = tpu.matmul %slice3A_10, %mul3A_131, %dot_general3A_132 {dimension_numbers = #tpu.dot_dimension_numbers<[1], [0], [0], [1], [0, 0, 1, 1], [], []>, transpose_lhs_hint = false} : vector<90x90xf32>, vector<90x256xf32>, vector<90x256xf32> -> vector<90x256xf32>
    %mul3A_134 = vector.broadcast %select_n3A_129 : vector<90x1xf32> to vector<90x256xf32>
    %mul3A_135 = arith.mulf %mul3A_134, %dot_general3A_133 : vector<90x256xf32>
    %add3A_136 = vector.broadcast %reshape3A_18 : vector<1x256xf32> to vector<90x256xf32>
    %add3A_137 = arith.addf %mul3A_135, %add3A_136 : vector<90x256xf32>
    %max3A_138 = arith.constant 0.000000e+00 : f32
    %max3A_139 = vector.broadcast %max3A_138 : f32 to vector<90x256xf32>
    %max3A_140 = arith.maximumf %add3A_137, %max3A_139 : vector<90x256xf32>
    %dot_general3A_141 = arith.constant dense<0.000000e+00> : vector<90x256xf32>
    %dot_general3A_142 = tpu.matmul %max3A_114, %get3A_21, %dot_general3A_141 {dimension_numbers = #tpu.dot_dimension_numbers<[1], [0], [0], [1], [0, 0, 1, 1], [], []>, transpose_lhs_hint = false} : vector<90x256xf32>, vector<256x256xf32>, vector<90x256xf32> -> vector<90x256xf32>
    %dot_general3A_143 = arith.constant dense<0.000000e+00> : vector<90x90xf32>
    %dot_general3A_144 = tpu.matmul %dot_general3A_142, %max3A_140, %dot_general3A_143 {dimension_numbers = #tpu.dot_dimension_numbers<[1], [1], [0], [0], [0, 0, 1, 0], [], []>, transpose_lhs_hint = false} : vector<90x256xf32>, vector<90x256xf32>, vector<90x90xf32> -> vector<90x90xf32>
    %tanh3A_145 = math.tanh %dot_general3A_144 : vector<90x90xf32>
    %dot_general3A_146 = arith.constant dense<0.000000e+00> : vector<90x90xf32>
    %dot_general3A_147 = tpu.matmul %max3A_140, %dot_general3A_142, %dot_general3A_146 {dimension_numbers = #tpu.dot_dimension_numbers<[1], [1], [0], [0], [0, 0, 1, 0], [], []>, transpose_lhs_hint = false} : vector<90x256xf32>, vector<90x256xf32>, vector<90x90xf32> -> vector<90x90xf32>
    %tanh3A_148 = math.tanh %dot_general3A_147 : vector<90x90xf32>
    %exp3A_149 = math.exp %tanh3A_145 : vector<90x90xf32>
    %exp3A_150 = math.exp %tanh3A_148 : vector<90x90xf32>
    %reduce_sum3A_151 = arith.constant dense<0.000000e+00> : vector<90xf32>
    %reduce_sum3A_152 = vector.multi_reduction <add>, %exp3A_149, %reduce_sum3A_151 [1] : vector<90x90xf32> to vector<90xf32>
    %broadcast_in_dim3A_153 = vector.shape_cast %reduce_sum3A_152 : vector<90xf32> to vector<90x1xf32>
    %div3A_154 = vector.broadcast %broadcast_in_dim3A_153 : vector<90x1xf32> to vector<90x90xf32>
    %div3A_155 = arith.divf %exp3A_149, %div3A_154 : vector<90x90xf32>
    %reduce_sum3A_156 = arith.constant dense<0.000000e+00> : vector<90xf32>
    %reduce_sum3A_157 = vector.multi_reduction <add>, %exp3A_150, %reduce_sum3A_156 [1] : vector<90x90xf32> to vector<90xf32>
    %broadcast_in_dim3A_158 = vector.shape_cast %reduce_sum3A_157 : vector<90xf32> to vector<90x1xf32>
    %div3A_159 = vector.broadcast %broadcast_in_dim3A_158 : vector<90x1xf32> to vector<90x90xf32>
    %div3A_160 = arith.divf %exp3A_150, %div3A_159 : vector<90x90xf32>
    %dot_general3A_161 = arith.constant dense<0.000000e+00> : vector<90x256xf32>
    %dot_general3A_162 = tpu.matmul %div3A_155, %max3A_140, %dot_general3A_161 {dimension_numbers = #tpu.dot_dimension_numbers<[1], [0], [0], [1], [0, 0, 1, 1], [], []>, transpose_lhs_hint = false} : vector<90x90xf32>, vector<90x256xf32>, vector<90x256xf32> -> vector<90x256xf32>
    %dot_general3A_163 = arith.constant dense<0.000000e+00> : vector<90x256xf32>
    %dot_general3A_164 = tpu.matmul %div3A_160, %max3A_114, %dot_general3A_163 {dimension_numbers = #tpu.dot_dimension_numbers<[1], [0], [0], [1], [0, 0, 1, 1], [], []>, transpose_lhs_hint = false} : vector<90x90xf32>, vector<90x256xf32>, vector<90x256xf32> -> vector<90x256xf32>
    %swap3A = arith.constant 0 : index
    %swap3A_165 = arith.constant 0 : index
    %swap3A_166 = vector.load %arg8[%swap3A, %swap3A_165] : memref<90x512xf32, #tpu.memory_space<vmem>>, vector<90x512xf32>
    tpu.vector_store %arg8[%swap3A, %swap3A_165], %concatenate3A {strides = array<i32>} : memref<90x512xf32, #tpu.memory_space<vmem>>, vector<90x512xf32>,
    %swap3A_167 = arith.constant 0 : index
    %swap3A_168 = arith.constant 0 : index
    %swap3A_169 = vector.load %arg10[%swap3A_167, %swap3A_168] : memref<90x512xf32, #tpu.memory_space<vmem>>, vector<90x512xf32>
    tpu.vector_store %arg10[%swap3A_167, %swap3A_168], %concatenate3A_88 {strides = array<i32>} : memref<90x512xf32, #tpu.memory_space<vmem>>, vector<90x512xf32>,
    %concatenate3A_170 = tpu.concatenate %max3A_114, %dot_general3A_162 in 1 : vector<90x256xf32>, vector<90x256xf32> -> vector<90x512xf32>
    %swap3A_171 = arith.constant 0 : index
    %swap3A_172 = arith.constant 0 : index
    %swap3A_173 = vector.load %arg9[%swap3A_171, %swap3A_172] : memref<90x512xf32, #tpu.memory_space<vmem>>, vector<90x512xf32>
    tpu.vector_store %arg9[%swap3A_171, %swap3A_172], %concatenate3A_170 {strides = array<i32>} : memref<90x512xf32, #tpu.memory_space<vmem>>, vector<90x512xf32>,
    %concatenate3A_174 = tpu.concatenate %max3A_140, %dot_general3A_164 in 1 : vector<90x256xf32>, vector<90x256xf32> -> vector<90x512xf32>
    %swap3A_175 = arith.constant 0 : index
    %swap3A_176 = arith.constant 0 : index
    %swap3A_177 = vector.load %arg11[%swap3A_175, %swap3A_176] : memref<90x512xf32, #tpu.memory_space<vmem>>, vector<90x512xf32>
    tpu.vector_store %arg11[%swap3A_175, %swap3A_176], %concatenate3A_174 {strides = array<i32>} : memref<90x512xf32, #tpu.memory_space<vmem>>, vector<90x512xf32>,
    return
  }
}

</mosaic_0001>

<sc_bundles>
// kernel: kernel.5.cloned.1.call-start
scs
__scs_entry_jumppad:
0x0: {  	(pc) =	sbr.rel $0x88, $3  }
0x1: {  	(tag) =	ssettag $0x0;
	lr =	simm.s32 $0x1  }
0x2: {  	[smem:$0x3F98] =	sst lr;
	_ =	strace $0xD0000000  }
0x3: {  	_ = 	snop  }
0x4: {  	_ = 	snop  }
0x5: {  	_ = 	snop  }
0x6: {  	_ = 	snop  }
0x7: {  	_ = 	snop  }
__scs_overlays_trampoline_lowered:
0x8: {  	[smem:$0x3FA7] =	sst s0  }
0x9: {  	[smem:$0x3FA8] =	sst s1  }
0xa: {  	[smem:$0x3FA9] =	sst s2  }
0xb: {  	[smem:$0x3FAA] =	sst s3  }
0xc: {  	[smem:$0x3FAB] =	sst s4  }
0xd: {  	[smem:$0x3FAC] =	sst s5  }
0xe: {  	[smem:$0x3FAD] =	sst s6  }
0xf: {  	[smem:$0x3FAE] =	sst s7  }
0x10: {  	[smem:$0x3FAF] =	sst s8  }
0x11: {  	[smem:$0x3FB0] =	sst s9;
	s0 =	simm.s32 @!p0 $0x0  }
0x12: {  	s1 =	sld [smem:$0x3F96];
	s0 =	simm.s32 @p0 $0x1  }
0x13: {  	[smem:$0x3FB1] =	sst s0;
	s0 =	simm.s32 @!p1 $0x0  }
0x14: {  	s2 =	sld [smem:$0x3F95];
	s0 =	simm.s32 @p1 $0x1  }
0x15: {  	[smem:$0x3FB2] =	sst s0;
	s0 =	simm.s32 @!p2 $0x0  }
0x16: {  	s3 =	sld [smem:$0x3FDB];
	s0 =	simm.s32 @p2 $0x1  }
0x17: {  	s4 =	simm.s32 $0x1BF5;
	[smem:$0x3FB4] =	sst s0  }
0x18: {  	s0 =	sld [smem:$0x3F97];
	_ =	swait.ge [sflag:s4], $0x0  }
0x19: {  	s7 =	sld [smem:$0x3F98]  }
0x1a: {  	s8 =	sadd.s32 $0xFFFFE003, lr  }
0x1b: {  	s9 =	sadd.s32 $0xFFFFFEF7, lr;
	s5 =	simm.s32 $0xFFFFFFFF;
	p2 =	slt.u32 s8, $0xFFFFF086  }
0x1c: {  	p1 =	slt.u32 s9, $0xF7A;
	s5 =	simm.s32 @!p2 $0x0  }
0x1d: {  	s5 =	simm.s32 @p1 $0x1;
	p0 =	seq.s32 s7, s2  }
0x1e: {  	s7 =	smul.u32 @!p0 $0xF7A, s2;
	p2 =	seq.s32 @!p0 s5, $0x0  }
0x1f: {  	s9 =	smul.u32 $0xF7A, s1;
	s8 =	simm.s32 @!p0 $0x1BF5;
	p2 =	por !p2, p0  }
0x20: {  	[sflag:s8] =	ssyncset.s32 @!p0 $0xFFFFF086;
	s6 =	sadd.s32 @!p0 s3, s7;
	s7 =	simm.s32 @!p0 $0x108  }
0x21: {  	s3 =	sadd.s32 s3, s9;
	s6 =	sadd.s32 @!p0 $0x88, s6;
	s7 =	simm.s32 @p2 $0x1082  }
0x22: {  	[simem:s7], [sflag:s8] =	dma.local @!p0 [hbm:s6], $0xF7A  }
0x23: {  	s9 =	sor.u32 $0xD0000000, s2;
	s6 =	simm.s32 $0x108;
	_ =	swait.ge @!p0 [sflag:s8], $0x0  }
0x24: {  	s3 =	sadd.s32 $0x88, s3;
	s6 =	simm.s32 @!p1 $0x1082;
	[sflag:s4] =	ssyncset.s32 $0xFFFFF086  }
0x25: {  	[simem:s6], [sflag:s4] =	dma.local [hbm:s3], $0xF7A  }
0x26: {  	[smem:$0x3F98] =	sst s1;
	(tag) =	ssettag s2;
	_ =	strace s9  }
0x27: {  	s1 =	sld [smem:$0x3FA8]  }
0x28: {  	s2 =	sld [smem:$0x3FA9]  }
0x29: {  	s4 =	sld [smem:$0x3FAB]  }
0x2a: {  	p0 =	seq.s32 s5, $0x0;
	s5 =	sld [smem:$0x3FAC]  }
0x2b: {  	s6 =	sld [smem:$0x3FAD]  }
0x2c: {  	s7 =	sld [smem:$0x3FAE]  }
0x2d: {  	s3 =	simm.s32 $0x108;
	s8 =	sld [smem:$0x3FAF]  }
0x2e: {  	s3 =	simm.s32 @!p0 $0x1082;
	s9 =	sld [smem:$0x3FB0]  }
0x2f: {  	lr =	sadd.s32 s0, s3;
	s0 =	sld [smem:$0x3FA7]  }
0x30: {  	s3 =	sld [smem:$0x3FAA]  }
0x31: {  	[smem:$0x3FB3] =	sst s10  }
0x32: {  	s10 =	sld [smem:$0x3FB1];
	_ =	sdelay $0x3  }
0x33: {  	p0 =	seq.s32 s10, $0x1;
	s10 =	sld [smem:$0x3FB3];
	_ =	sdelay $0x3  }
0x34: {  	[smem:$0x3FB3] =	sst s10  }
0x35: {  	s10 =	sld [smem:$0x3FB2];
	_ =	sdelay $0x3  }
0x36: {  	p1 =	seq.s32 s10, $0x1;
	s10 =	sld [smem:$0x3FB3];
	_ =	sdelay $0x3  }
0x37: {  	[smem:$0x3FB3] =	sst s10  }
0x38: {  	s10 =	sld [smem:$0x3FB4]  }
0x39: {  	_ = 	snop;
	(pc) =	sbr.ind lr, $3  }
0x3a: {  	_ = 	snop  }
0x3b: {  	_ = 	snop  }
0x3c: {  	p2 =	seq.s32 s10, $0x1;
	s10 =	sld [smem:$0x3FB3]  }
0x3d: {  	_ =	shalt  }
0x3e: {  	_ =	shalt  }
0x3f: {  	_ =	shalt  }
0x40: {  	_ =	shalt  }
0x41: {  	_ =	shalt  }
0x42: {  	_ =	shalt  }
0x43: {  	_ =	shalt  }
0x44: {  	_ =	shalt  }
0x45: {  	_ =	shalt  }
0x46: {  	_ =	shalt  }
0x47: {  	_ =	shalt  }
0x48: {  	_ =	shalt  }
0x49: {  	_ =	shalt  }
0x4a: {  	_ =	shalt  }
0x4b: {  	_ =	shalt  }
0x4c: {  	_ =	shalt  }
0x4d: {  	_ =	shalt  }
0x4e: {  	_ =	shalt  }
0x4f: {  	_ =	shalt  }
0x50: {  	_ =	shalt  }
0x51: {  	_ =	shalt  }
0x52: {  	_ =	shalt  }
0x53: {  	_ =	shalt  }
0x54: {  	_ =	shalt  }
0x55: {  	_ =	shalt  }
0x56: {  	_ =	shalt  }
0x57: {  	_ =	shalt  }
0x58: {  	_ =	shalt  }
0x59: {  	_ =	shalt  }
0x5a: {  	_ =	shalt  }
0x5b: {  	_ =	shalt  }
0x5c: {  	_ =	shalt  }
0x5d: {  	_ =	shalt  }
0x5e: {  	_ =	shalt  }
0x5f: {  	_ =	shalt  }
0x60: {  	_ =	shalt  }
0x61: {  	_ =	shalt  }
0x62: {  	_ =	shalt  }
0x63: {  	_ =	shalt  }
0x64: {  	_ =	shalt  }
0x65: {  	_ =	shalt  }
0x66: {  	_ =	shalt  }
0x67: {  	_ =	shalt  }
0x68: {  	_ =	shalt  }
0x69: {  	_ =	shalt  }
0x6a: {  	_ =	shalt  }
0x6b: {  	_ =	shalt  }
0x6c: {  	_ =	shalt  }
0x6d: {  	_ =	shalt  }
0x6e: {  	_ =	shalt  }
0x6f: {  	_ =	shalt  }
0x70: {  	_ =	shalt  }
0x71: {  	_ =	shalt  }
0x72: {  	_ =	shalt  }
0x73: {  	_ =	shalt  }
0x74: {  	_ =	shalt  }
0x75: {  	_ =	shalt  }
0x76: {  	_ =	shalt  }
0x77: {  	_ =	shalt  }
0x78: {  	_ =	shalt  }
0x79: {  	_ =	shalt  }
0x7a: {  	_ =	shalt  }
0x7b: {  	_ =	shalt  }
0x7c: {  	_ =	shalt  }
0x7d: {  	_ =	shalt  }
0x7e: {  	_ =	shalt  }
0x7f: {  	_ =	shalt  }
0x80: {  	_ =	shalt  }
0x81: {  	_ =	shalt  }
0x82: {  	_ =	shalt  }
0x83: {  	_ =	shalt  }
0x84: {  	_ =	shalt  }
0x85: {  	_ =	shalt  }
0x86: {  	_ =	shalt  }
0x87: {  	_ =	shalt  }
.Lfunc_end0:
.L_simem_size_0:
called_computation_lowered:
.L_overlay_start_0:
0x88: {  	s0 =	sld [smem:$0x3FD9]  }
0x89: {  	s1 =	sld [smem:$0x3FFE];
	_ =	sdelay $0x3  }
0x8a: {  	s0 =	sadd.s32 s1, s0  }
0x8b: {  	[smem:$0x3FBF] =	sst s0  }
0x8c: {  	_ = 	snop  }
0x8d: {  	s0 =	sld [smem:$0x3FD0];
	_ =	sdelay $0x2  }
0x8e: {  	s14 =	simm.s32 $0xA;
	s2 =	simm.s32 $0x10  }
0x8f: {  	[smem:s2], [sflag:s14] =	dma.local [hbm:s0], $0x1  }
0x90: {  	_ =	swait.eq [sflag:s14], $0x1  }
0x91: {  	s15 =	sld [smem:$0x10]  }
0x92: {  	s16 =	sld [smem:$0x11];
	[sflag:s14] =	ssyncset.done $0x0  }
0x93: {  	s3 =	sld [smem:$0x12];
	[sflag:s14] =	ssyncadd.s32 $0xFFFFFFFF  }
0x94: {  	s17 =	sld [smem:$0x13];
	(tm) =	ssettm $0x1  }
0x95: {  	s4 =	sld [smem:$0x3FFB];
	_ =	sdelay $0x3  }
0x96: {  	_ =	strace s4  }
0x97: {  	s4 =	sld [smem:$0x3FFC];
	_ =	sdelay $0x3  }
0x98: {  	_ =	strace s4  }
0x99: {  	s4 =	sld [smem:$0x3FFD];
	_ =	sdelay $0x3  }
0x9a: {  	_ =	strace s4  }
0x9b: {  	_ =	strace $0x8FFFFFFF  }
0x9c: {  	s18 =	sld [smem:$0x3FDB];
	_ =	sdelay $0x1  }
0x9d: {  	s5 =	simm.s32 $_scs_section_size  }
0x9e: {  	s6 =	simm.s32 $_size__tile_overlayer_lowered;
	s7 =	simm.s32 $_tile_overlayer_lowered  }
0x9f: {  	s21 =	simm.s32 $0x1BFF;
	s20 =	sshll.u32 s7, $0x1;
	s4 =	sadd.s32 s5, s18  }
0xa0: {  	s8 =	simm.s32 $0x0;
	s19 =	sshll.u32 s6, $0x1;
	s6 =	sadd.s32 s20, s4  }
0xa1: {  	[timem:s8], [sflag:s21] =	dma.local [hbm:s6], s19  }
0xa2: {  	_ =	swait.ge [sflag:s21], s19  }
0xa3: {  	s5 =	ssub.s32 $0x0, s19;
	[sflag:s21] =	ssyncset.done $0x0  }
0xa4: {  	[sflag:s21] =	ssyncadd.s32 s5;
	_ =	sdelay $0x1  }
0xa5: {  	s22 =	simm.s32 $0x1B8B  }
0xa6: {  	_ =	swait.ge [sflag:s22], $0x1  }
0xa7: {  	[sflag:s22] =	ssyncset.done $0x0  }
0xa8: {  	s23 =	simm.s32 $0x1B8E;
	[sflag:s22] =	ssyncadd.s32 $0xFFFFFFFF  }
0xa9: {  	s24 =	simm.s32 $execute0_lowered;
	[smem:$0x3FD2] =	sst s23  }
0xaa: {  	s5 =	sshll.u32 s24, $0x1;
	_ =	strace $0x80000046;
	[dreg:$0x1] =	wrdreg $0xFFFFFFFF  }
0xab: {  	s25 =	simm.s32 $_size_execute0_lowered;
	s4 =	sadd.s32 s4, s5;
	[dreg:$0x0] =	wrdreg $0x0  }
0xac: {  	s5 =	sshll.u32 s25, $0x1;
	[dreg:$0x2] =	wrdreg s4  }
0xad: {  	[dreg:$0x3] =	wrdreg s5  }
0xae: {  	[dreg:$0x4] =	wrdreg $0xC0  }
0xaf: {  	_ =	task [dreg:s8], $0x5FFFF  }
0xb0: {  	[dreg:$0x1] =	wrdreg $0xFFFFFFFF  }
0xb1: {  	[dreg:$0x0] =	wrdreg $0x60  }
0xb2: {  	[dreg:$0x2] =	wrdreg s16  }
0xb3: {  	[dreg:$0x3] =	wrdreg s15  }
0xb4: {  	[dreg:$0x4] =	wrdreg s17  }
0xb5: {  	[dreg:$0x5] =	wrdreg s3  }
0xb6: {  	[dreg:$0x6] =	wrdreg $0x9  }
0xb7: {  	_ =	task.clear_ibuf [dreg:s8], $0x7FFFF;
	_ =	strace $0x90000046  }
0xb8: {  	s26 =	simm.s32 $0x9;
	_ =	strace $0x80000048  }
0xb9: {  	_ =	swait.ge [sflag:s26], $0x1  }
0xba: {  	[sflag:s26] =	ssyncadd.s32 $0xFFFFFFFF  }
0xbb: {  	_ =	strace $0x90000048  }
0xbc: {  	_ =	sfence  }
0xbd: {  	s28 =	sld [smem:$0x0];
	_ =	sdelay $0x1  }
0xbe: {  	s29 =	srdreg.scid  }
0xbf: {  	s30 =	sshll.u32 s29, $0xD;
	s31 =	sshrl.u32 s29, $0x2  }
0xc0: {  	s1 =	sand.u32 $0x1, s29;
	s2 =	sand.u32 $0x4000, s30;
	s0 =	sadd.s32 s31, s28  }
0xc1: {  	s1 =	sor.u32 s2, s1;
	s0 =	sshll.u32 s0, $0x11  }
0xc2: {  	s0 =	sor.u32 s0, s1  }
0xc3: {  	s0 =	sadd.s32 $0x8F2B, s0  }
0xc4: {  	[sflag:s0] =	ssyncadd.remote.s32 $0x1  }
0xc5: {  	_ =	sfence.sel $0xFFFF  }
0xc6: {  	[dreg:$0x0] =	wrdreg $0xFFFFFFFF;
	(pc) =	sbr.abs _section_cstart, $3  }
0xc7: {  	[dreg:$0x1] =	wrdreg $0xFFFFFFFF  }
0xc8: {  	_ =	task.clear_ibuf [dreg:s8], $0x2FFFF;
	_ =	strace $0x9FFFFFFF  }
0xc9: {  	(tm) =	ssettm $0x7FFFFFFF  }
tec
execute0_lowered:
.L_overlay_start_1:
0x0: {  	(tag) =	ssettag $0x1  }
0x1: {  	s8 =	rddreg [dreg:$0x0];
	s1 =	stileid.u32  }
0x2: {  	s5 =	rddreg [dreg:$0x1];
	p0 =	sgt.u32 s1, $0x3  }
.Ltmp0:
0x3: {  	s7 =	rddreg [dreg:$0x2];
	(pc) =	sbr.rel @p0 .LBB2_6-.Ltmp0, $4  }
0x4: {  	s3 =	rddreg [dreg:$0x3]  }
0x5: {  	s0 =	rddreg [dreg:$0x4];
	s9 =	simm.s32 $0x0  }
0x6: {  	[smem:$0x7FF] =	sst s9;
	s2 =	sand.u32 $0x3, s1  }
0x7: {  	s6 =	sand.u32 $0xC, s1;
	_ =	strace $0x80000047;
	s4 =	smul.u32 $0x600, s2  }
0x8: {  	[tilespmem:s9], [sflag:$0x1] =	stream.linear.gather [hbm4b:s8+s9], $0x1600, $0x38;
	[tilespmem:$0x4600] =	vst v63  }
0x9: {  	s31 =	simm.s32 $0x1  }
0xa: {  	_ =	swait.ge [sflag:s31], $0x1600  }
0xb: {  	[sflag:s31] =	ssyncset.done $0x0  }
0xc: {  	v0 =	vimm.f32 $0.0e+00;
	s9 =	simm.s32 $0x0;
	[sflag:s31] =	ssyncadd.s32 $0xFFFFEA00  }
0xd: {  	[tilespmem:s9+$0x1650] =	vst v0  }
0xe: {  	[tilespmem:s9+$0x1600] =	vst v0  }
0xf: {  	[tilespmem:s9+$0x1610] =	vst v0  }
0x10: {  	[tilespmem:s9+$0x1620] =	vst v0  }
0x11: {  	s8 =	simm.s32 $0x200;
	s7 =	sadd.s32 s7, s4;
	[tilespmem:s9+$0x1630] =	vst v0  }
.LBB2_2:
0x12: {  	p0 =	sne.s32 s8, $0xBE00;
	[tilespmem:s9+$0x1640] =	vst v0;
	s9 =	sshra.s32 s8, $0x2;
	s8 =	sadd.s32 $0x200, s8  }
.Ltmp1:
0x13: {  	[tilespmem:s9+$0x1650] =	vst v0;
	(pc) =	sbr.rel @p0 .LBB2_2-.Ltmp1, $4  }
0x14: {  	[tilespmem:s9+$0x1600] =	vst v0  }
0x15: {  	[tilespmem:s9+$0x1610] =	vst v0  }
0x16: {  	[tilespmem:s9+$0x1620] =	vst v0  }
0x17: {  	[tilespmem:s9+$0x1630] =	vst v0  }
0x18: {  	s8 =	smul.u32 $0x580, s2  }
0x19: {  	s10 =	sand.u32 $0x1, s1;
	[tilespmem:s9+$0x1640] =	vst v0;
	s9 =	smul.u32 $0x2C0, s2  }
0x1a: {  	s11 =	simm.s32 $0x1600;
	p0 =	seq.s32 s10, $0x1;
	s10 =	simm.s32 $0x0  }
.LBB2_4:
0x1b: {  	s12 =	simm.s32 $0x1  }
0x1c: {  	s12 =	simm.s32 @!p0 $0x0  }
0x1d: {  	s13 =	sadd.s32 s10, s8;
	s12 =	sshll.u32 s12, $0x6  }
0x1e: {  	s12 =	sadd.s32 s12, s13  }
0x1f: {  	s14 =	sor.u32 $0x80, s12  }
0x20: {  	s15 =	sand.u32 $0x40, s9;
	s13 =	sand.u32 $0x3F00, s13;
	v0 =	vld [tilespmem:s14+$0x0]  }
0x21: {  	s13 =	sor.u32 s15, s13  }
0x22: {  	v1 =	vld [tilespmem:s13+$0x0];
	_ =	sdelay $0x2  }
0x23: {  	v2 =	vmul.u32 $0x60, v0;
	_ =	sdelay $0x1  }
0x24: {  	v2 =	vadd.s32 v1, v2  }
0x25: {  	(xrf1) =	vunique.msk.u32 $0xffff, v2;
	_ =	sdelay $0xc  }
0x26: {  	v50 =	vand.u32 $0xFFFFFF80, v1;
	v0 =	vshll.u32 v0, $0x7  }
0x27: {  	v0 =	vadd.s32 v50, v0;
	v1 =	vand.u32 $0x7F, v1;
	_, v3, vm0 =	vpop (xrf1)  }
0x28: {  	v0 =	vor.u32 v1, v0;
	_ =	sdelay $0x2  }
0x29: {  	v51 =	vcvt.s32.f32 v3  }
0x2a: {  	s30 =	sadd.s32 $0x10, s12  }
0x2b: {  	s14 =	sor.u32 $0x80, s30;
	[tilespmem:v0+s11+$0x0] =	vst.idx.add.f32.msk vm0, v51  }
0x2c: {  	v0 =	vld [tilespmem:s14+$0x0];
	_ =	sdelay $0x1  }
0x2d: {  	v1 =	vld [tilespmem:s13+$0x10];
	_ =	sdelay $0x2  }
0x2e: {  	v52 =	vmul.u32 $0x60, v0;
	_ =	sdelay $0x1  }
0x2f: {  	v2 =	vadd.s32 v1, v52  }
0x30: {  	(xrf1) =	vunique.msk.u32 $0xffff, v2;
	_ =	sdelay $0xc  }
0x31: {  	v53 =	vand.u32 $0xFFFFFF80, v1;
	v0 =	vshll.u32 v0, $0x7  }
0x32: {  	v0 =	vadd.s32 v53, v0;
	v1 =	vand.u32 $0x7F, v1;
	_, v54, vm13 =	vpop (xrf1)  }
0x33: {  	v0 =	vor.u32 v1, v0;
	_ =	sdelay $0x2  }
0x34: {  	v55 =	vcvt.s32.f32 v54  }
0x35: {  	s31 =	sadd.s32 $0x20, s12  }
0x36: {  	s14 =	sor.u32 $0x80, s31;
	[tilespmem:v0+s11+$0x0] =	vst.idx.add.f32.msk vm13, v55  }
0x37: {  	v0 =	vld [tilespmem:s14+$0x0];
	_ =	sdelay $0x1  }
0x38: {  	v1 =	vld [tilespmem:s13+$0x20];
	_ =	sdelay $0x2  }
0x39: {  	v56 =	vmul.u32 $0x60, v0;
	_ =	sdelay $0x1  }
0x3a: {  	v2 =	vadd.s32 v1, v56  }
0x3b: {  	(xrf1) =	vunique.msk.u32 $0xffff, v2;
	_ =	sdelay $0xc  }
0x3c: {  	v57 =	vand.u32 $0xFFFFFF80, v1;
	v0 =	vshll.u32 v0, $0x7  }
0x3d: {  	v0 =	vadd.s32 v57, v0;
	v1 =	vand.u32 $0x7F, v1;
	_, v58, vm14 =	vpop (xrf1)  }
0x3e: {  	v0 =	vor.u32 v1, v0;
	_ =	sdelay $0x2  }
0x3f: {  	v59 =	vcvt.s32.f32 v58  }
0x40: {  	s12 =	sadd.s32 $0x30, s12  }
0x41: {  	s12 =	sor.u32 $0x80, s12;
	[tilespmem:v0+s11+$0x0] =	vst.idx.add.f32.msk vm14, v59  }
0x42: {  	v0 =	vld [tilespmem:s12+$0x0];
	_ =	sdelay $0x1  }
0x43: {  	v1 =	vld [tilespmem:s13+$0x30];
	_ =	sdelay $0x2  }
0x44: {  	v60 =	vmul.u32 $0x60, v0;
	_ =	sdelay $0x1  }
0x45: {  	v2 =	vadd.s32 v1, v60  }
0x46: {  	(xrf1) =	vunique.msk.u32 $0xffff, v2;
	_ =	sdelay $0xc  }
0x47: {  	v61 =	vand.u32 $0xFFFFFF80, v1;
	v0 =	vshll.u32 v0, $0x7  }
0x48: {  	v0 =	vadd.s32 v61, v0;
	v1 =	vand.u32 $0x7F, v1;
	_, v62, vm15 =	vpop (xrf1)  }
0x49: {  	p1 =	sne.s32 s10, $0x500;
	v0 =	vor.u32 v1, v0  }
.Ltmp2:
0x4a: {  	_ = 	snop;
	(pc) =	sbr.rel @p1 .LBB2_4-.Ltmp2, $3  }
0x4b: {  	_ = 	snop  }
0x4c: {  	v63 =	vcvt.s32.f32 v62;
	_ =	sdelay $0x1  }
0x4d: {  	s9 =	sadd.s32 $0x40, s9;
	s10 =	sadd.s32 $0x80, s10;
	p0 =	por !p0, !p0;
	[tilespmem:v0+s11+$0x0] =	vst.idx.add.f32.msk vm15, v63  }
0x4e: {  	s8 =	simm.s32 $0x0;
	s9 =	simm.s32 $0x1600;
	s31 =	simm.s32 $0x1  }
0x4f: {  	[hbm4b:s7+s8] =	stream.linear.scatter [tilespmem:s9], [sflag:$0x1], $0x3000, $0x38;
	[tilespmem:$0x4600] =	vst v63  }
0x50: {  	_ =	swait.ge [sflag:s31], $0x3000  }
0x51: {  	[sflag:s31] =	ssyncset.done $0x0  }
0x52: {  	[sflag:s31] =	ssyncadd.s32 $0xFFFFD000  }
.LBB2_6:
0x53: {  	p0 =	sne.s32 s6, $0x4  }
.Ltmp3:
0x54: {  	_ = 	snop;
	(pc) =	sbr.rel @p0 .LBB2_12-.Ltmp3, $1  }
0x55: {  	_ =	sdelay $0x3  }
0x56: {  	s6 =	simm.s32 $0x0;
	s31 =	simm.s32 $0x1  }
0x57: {  	[tilespmem:s6], [sflag:$0x1] =	stream.linear.gather [hbm4b:s5+s6], $0x1600, $0x38;
	[tilespmem:$0x4600] =	vst v63  }
0x58: {  	_ =	swait.ge [sflag:s31], $0x1600  }
0x59: {  	[sflag:s31] =	ssyncset.done $0x0  }
0x5a: {  	v0 =	vimm.f32 $0.0e+00;
	s5 =	simm.s32 $0x0;
	[sflag:s31] =	ssyncadd.s32 $0xFFFFEA00  }
0x5b: {  	[tilespmem:s5+$0x1650] =	vst v0  }
0x5c: {  	[tilespmem:s5+$0x1600] =	vst v0  }
0x5d: {  	[tilespmem:s5+$0x1610] =	vst v0  }
0x5e: {  	[tilespmem:s5+$0x1620] =	vst v0  }
0x5f: {  	s3 =	sadd.s32 s3, s4;
	s4 =	simm.s32 $0x200;
	[tilespmem:s5+$0x1630] =	vst v0  }
.LBB2_8:
0x60: {  	p0 =	sne.s32 s4, $0xBE00;
	[tilespmem:s5+$0x1640] =	vst v0;
	s5 =	sshra.s32 s4, $0x2;
	s4 =	sadd.s32 $0x200, s4  }
.Ltmp4:
0x61: {  	[tilespmem:s5+$0x1650] =	vst v0;
	(pc) =	sbr.rel @p0 .LBB2_8-.Ltmp4, $4  }
0x62: {  	[tilespmem:s5+$0x1600] =	vst v0  }
0x63: {  	[tilespmem:s5+$0x1610] =	vst v0  }
0x64: {  	[tilespmem:s5+$0x1620] =	vst v0  }
0x65: {  	[tilespmem:s5+$0x1630] =	vst v0  }
0x66: {  	s4 =	smul.u32 $0x580, s2  }
0x67: {  	s6 =	sand.u32 $0x1, s1;
	s2 =	smul.u32 $0x2C0, s2  }
0x68: {  	[tilespmem:s5+$0x1640] =	vst v0;
	s5 =	simm.s32 $0x0;
	p0 =	seq.s32 s6, $0x1;
	s6 =	simm.s32 $0x1600  }
.LBB2_10:
0x69: {  	s7 =	simm.s32 $0x1  }
0x6a: {  	s7 =	simm.s32 @!p0 $0x0  }
0x6b: {  	s8 =	sadd.s32 s5, s4;
	s7 =	sshll.u32 s7, $0x6  }
0x6c: {  	s7 =	sadd.s32 s7, s8  }
0x6d: {  	s9 =	sor.u32 $0x80, s7  }
0x6e: {  	s10 =	sand.u32 $0x40, s2;
	s8 =	sand.u32 $0x3F00, s8;
	v0 =	vld [tilespmem:s9+$0x0]  }
0x6f: {  	s8 =	sor.u32 s10, s8  }
0x70: {  	v1 =	vld [tilespmem:s8+$0x0];
	_ =	sdelay $0x2  }
0x71: {  	v2 =	vmul.u32 $0x60, v0;
	_ =	sdelay $0x1  }
0x72: {  	v2 =	vadd.s32 v1, v2  }
0x73: {  	(xrf1) =	vunique.msk.u32 $0xffff, v2;
	_ =	sdelay $0xc  }
0x74: {  	v50 =	vand.u32 $0xFFFFFF80, v1;
	v0 =	vshll.u32 v0, $0x7  }
0x75: {  	v0 =	vadd.s32 v50, v0;
	v1 =	vand.u32 $0x7F, v1;
	_, v3, vm0 =	vpop (xrf1)  }
0x76: {  	v0 =	vor.u32 v1, v0;
	_ =	sdelay $0x2  }
0x77: {  	v51 =	vcvt.s32.f32 v3  }
0x78: {  	s30 =	sadd.s32 $0x10, s7  }
0x79: {  	s9 =	sor.u32 $0x80, s30;
	[tilespmem:v0+s6+$0x0] =	vst.idx.add.f32.msk vm0, v51  }
0x7a: {  	v0 =	vld [tilespmem:s9+$0x0];
	_ =	sdelay $0x1  }
0x7b: {  	v1 =	vld [tilespmem:s8+$0x10];
	_ =	sdelay $0x2  }
0x7c: {  	v52 =	vmul.u32 $0x60, v0;
	_ =	sdelay $0x1  }
0x7d: {  	v2 =	vadd.s32 v1, v52  }
0x7e: {  	(xrf1) =	vunique.msk.u32 $0xffff, v2;
	_ =	sdelay $0xc  }
0x7f: {  	v53 =	vand.u32 $0xFFFFFF80, v1;
	v0 =	vshll.u32 v0, $0x7  }
0x80: {  	v0 =	vadd.s32 v53, v0;
	v1 =	vand.u32 $0x7F, v1;
	_, v54, vm13 =	vpop (xrf1)  }
0x81: {  	v0 =	vor.u32 v1, v0;
	_ =	sdelay $0x2  }
0x82: {  	v55 =	vcvt.s32.f32 v54  }
0x83: {  	s31 =	sadd.s32 $0x20, s7  }
0x84: {  	s9 =	sor.u32 $0x80, s31;
	[tilespmem:v0+s6+$0x0] =	vst.idx.add.f32.msk vm13, v55  }
0x85: {  	v0 =	vld [tilespmem:s9+$0x0];
	_ =	sdelay $0x1  }
0x86: {  	v1 =	vld [tilespmem:s8+$0x20];
	_ =	sdelay $0x2  }
0x87: {  	v56 =	vmul.u32 $0x60, v0;
	_ =	sdelay $0x1  }
0x88: {  	v2 =	vadd.s32 v1, v56  }
0x89: {  	(xrf1) =	vunique.msk.u32 $0xffff, v2;
	_ =	sdelay $0xc  }
0x8a: {  	v57 =	vand.u32 $0xFFFFFF80, v1;
	v0 =	vshll.u32 v0, $0x7  }
0x8b: {  	v0 =	vadd.s32 v57, v0;
	v1 =	vand.u32 $0x7F, v1;
	_, v58, vm14 =	vpop (xrf1)  }
0x8c: {  	v0 =	vor.u32 v1, v0;
	_ =	sdelay $0x2  }
0x8d: {  	v59 =	vcvt.s32.f32 v58  }
0x8e: {  	s7 =	sadd.s32 $0x30, s7  }
0x8f: {  	s7 =	sor.u32 $0x80, s7;
	[tilespmem:v0+s6+$0x0] =	vst.idx.add.f32.msk vm14, v59  }
0x90: {  	v0 =	vld [tilespmem:s7+$0x0];
	_ =	sdelay $0x1  }
0x91: {  	v1 =	vld [tilespmem:s8+$0x30];
	_ =	sdelay $0x2  }
0x92: {  	v60 =	vmul.u32 $0x60, v0;
	_ =	sdelay $0x1  }
0x93: {  	v2 =	vadd.s32 v1, v60  }
0x94: {  	(xrf1) =	vunique.msk.u32 $0xffff, v2;
	_ =	sdelay $0xc  }
0x95: {  	v61 =	vand.u32 $0xFFFFFF80, v1;
	v0 =	vshll.u32 v0, $0x7  }
0x96: {  	v0 =	vadd.s32 v61, v0;
	v1 =	vand.u32 $0x7F, v1;
	_, v62, vm15 =	vpop (xrf1)  }
0x97: {  	p1 =	sne.s32 s5, $0x500;
	v0 =	vor.u32 v1, v0  }
.Ltmp5:
0x98: {  	_ = 	snop;
	(pc) =	sbr.rel @p1 .LBB2_10-.Ltmp5, $3  }
0x99: {  	_ = 	snop  }
0x9a: {  	v63 =	vcvt.s32.f32 v62;
	_ =	sdelay $0x1  }
0x9b: {  	s2 =	sadd.s32 $0x40, s2;
	s5 =	sadd.s32 $0x80, s5;
	p0 =	por !p0, !p0;
	[tilespmem:v0+s6+$0x0] =	vst.idx.add.f32.msk vm15, v63  }
0x9c: {  	s2 =	simm.s32 $0x0;
	s4 =	simm.s32 $0x1600;
	s31 =	simm.s32 $0x1  }
0x9d: {  	[hbm4b:s3+s2] =	stream.linear.scatter [tilespmem:s4], [sflag:$0x1], $0x3000, $0x38;
	[tilespmem:$0x4600] =	vst v63  }
0x9e: {  	_ =	swait.ge [sflag:s31], $0x3000  }
0x9f: {  	[sflag:s31] =	ssyncset.done $0x0  }
0xa0: {  	[sflag:s31] =	ssyncadd.s32 $0xFFFFD000  }
.LBB2_12:
0xa1: {  	_ =	sfence.sel $0x180000  }
0xa2: {  	[bflag:$0x0] =	sbarrier.arrive $0xFFFF  }
0xa3: {  	p0 =	sne.s32 s1, $0x0;
	_ =	strace $0x90000047  }
0xa4: {  	s0 =	sadd.s32 @!p0 $0x100000, s0;
	[bflag:$0x2] =	sbarrier.arrive $0xFFFF  }
0xa5: {  	[sflag:s0] =	ssyncadd.tile.s32 @!p0 $0x1;
	_ =	shalt  }
.Lfunc_end2:
_tile_overlayer_lowered:
.L_overlay_start_2:
0xa6: {  	(tag) =	ssettag $0x2  }
0xa7: {  	s0 =	rddreg [dreg:$0x0];
	s2 =	stileid.u32  }
0xa8: {  	s1 =	rddreg [dreg:$0x1];
	p0 =	sne.s32 s2, $0x0  }
0xa9: {  	s3 =	rddreg [dreg:$0x2];
	[bflag:$0x3] =	sbarrier.arrive $0xFFFF;
	s2 =	simm.s32 @!p0 $0x1C01  }
0xaa: {  	[timem:s3], [sflag:s2] =	dma.local @!p0 [hbm:s0], s1  }
0xab: {  	s0 =	simm.s32 @!p0 $0x1  }
0xac: {  	_ =	swait.ge @!p0 [sflag:s0], s1  }
0xad: {  	s1 =	ssub.s32 @!p0 $0x0, s1;
	[sflag:s0] =	ssyncset.done @!p0 $0x0  }
0xae: {  	[sflag:s0] =	ssyncadd.s32 @!p0 s1  }
0xaf: {  	[bflag:$0x3] =	sbarrier.arrive $0xFFFF  }
0xb0: {  	_ =	shalt  }

</sc_bundles>
